<compile_context>
chip_gen: v7x
topology: tpu7x:2x2x1
jax: 0.10.2.dev20260603
libtpu: 0.0.44.dev20260713+nightly
codegen_flags: <defaults>
</compile_context>

<pallas_src>
import functools

import jax
import jax.numpy as jnp
from jax import lax
from jax.experimental import pallas as pl
from jax.experimental.pallas import tpu as pltpu
from jax.experimental.pallas import tpu_sc as plsc

_N = 10000
_E = 160000
_D = 128

_LANES = 128
_TILES = 16
_EPAD = 163840
_EROWS = _EPAD // _LANES
_TROWS = _EROWS // _TILES
_CR = 2
_NCH = _TROWS // _CR
_NPAD = 10240
_OROWS = _NPAD // _TILES


def _mm_body(x_ref, w_ref, o_ref):
    o_ref[...] = jnp.dot(x_ref[...], w_ref[...],
                         preferred_element_type=jnp.float32)


def _matmul(x_all, w):
    bm = 2000
    return pl.pallas_call(
        _mm_body,
        grid=(x_all.shape[0] // bm,),
        in_specs=[
            pl.BlockSpec((bm, _D), lambda i: (i, 0)),
            pl.BlockSpec((_D, _D), lambda i: (0, 0)),
        ],
        out_specs=pl.BlockSpec((bm, _D), lambda i: (i, 0)),
        out_shape=jax.ShapeDtypeStruct((x_all.shape[0], _D), jnp.float32),
    )(x_all, w)


def _sc_propagate(h_all, srcs, dsts, zrows):
    mesh = plsc.VectorSubcoreMesh(core_axis_name="c", subcore_axis_name="s")

    @functools.partial(
        pl.kernel,
        mesh=mesh,
        out_type=[
            jax.ShapeDtypeStruct((2 * _NPAD, _D), jnp.float32),
            jax.ShapeDtypeStruct((2 * _NPAD, _D), jnp.float32),
        ],
        scratch_types=[
            pltpu.VMEM((_CR, _LANES), jnp.int32),
            pltpu.VMEM((_CR, _LANES), jnp.int32),
            pltpu.VMEM((_CR * _LANES, _D), jnp.float32),
            pltpu.VMEM_SHARED((_NPAD, _D), jnp.float32),
            pltpu.SemaphoreType.DMA,
        ],
    )
    def sc(h_hbm, src_hbm, dst_hbm, z_hbm, out_hbm, y1_hbm,
           idx_s, idx_d, rows, acc, sem):
        c = lax.axis_index("c")
        s = lax.axis_index("s")
        obase = s * _OROWS

        def zero_acc():
            pltpu.sync_copy(z_hbm, acc.at[pl.ds(obase, _OROWS)])

        def hop(tab_hbm):
            def body(g, carry):
                rb = s * _TROWS + g * _CR
                pltpu.sync_copy(src_hbm.at[c, pl.ds(rb, _CR)], idx_s)
                pltpu.sync_copy(dst_hbm.at[pl.ds(rb, _CR)], idx_d)
                cps = [
                    pltpu.async_copy(tab_hbm.at[idx_s.at[j]],
                                     rows.at[pl.ds(j * _LANES, _LANES)], sem)
                    for j in range(_CR)
                ]
                for cp in cps:
                    cp.wait()
                for j in range(_CR):
                    pltpu.sync_copy(rows.at[pl.ds(j * _LANES, _LANES)],
                                    acc.at[idx_d.at[j]], add=True)
                return carry
            lax.fori_loop(0, _NCH, body, 0)

        zero_acc()
        plsc.subcore_barrier()
        hop(h_hbm)
        plsc.subcore_barrier()
        pltpu.sync_copy(acc.at[pl.ds(obase, _OROWS)],
                        y1_hbm.at[pl.ds(c * _NPAD + obase, _OROWS)])
        zero_acc()
        plsc.subcore_barrier()
        hop(y1_hbm)
        plsc.subcore_barrier()
        pltpu.sync_copy(acc.at[pl.ds(obase, _OROWS)],
                        out_hbm.at[pl.ds(c * _NPAD + obase, _OROWS)])

    return sc(h_all, srcs, dsts, zrows)


def kernel(pos_x, neg_x, edge_index, W):
    src = edge_index[0].astype(jnp.int32)
    dst = edge_index[1].astype(jnp.int32)
    pad = _EPAD - _E
    src_p = jnp.concatenate([src, jnp.zeros((pad,), jnp.int32)])
    dst_p = jnp.concatenate([dst, jnp.full((pad,), _N, jnp.int32)])
    srcs = jnp.stack([src_p, src_p + _NPAD]).reshape(2, _EROWS, _LANES)
    dsts = dst_p.reshape(_EROWS, _LANES)
    zrows = jnp.zeros((_OROWS, _D), jnp.float32)
    xpad = jnp.zeros((_NPAD - _N, _D), jnp.float32)
    x_all = jnp.concatenate([pos_x, xpad, neg_x, xpad], axis=0)
    h_all = _matmul(x_all, W)
    out_all, _ = _sc_propagate(h_all, srcs, dsts, zrows)
    return out_all[:_N], out_all[_NPAD:_NPAD + _N]

# --- scband reference (transcript-rebuilt; emitter-appended) ---
"""Pipeline reference for scband-dkgim-77163382440900 (READ-ONLY COPY).

The authoritative reference and input builder live on the scoring server;
editing this copy changes nothing except your own understanding.
"""

import jax, jax.numpy as jnp
import numpy as np

N = 10000
E = 160000
D = 128
UNITS = 128


def setup_inputs(seed: int = 0) -> dict:
    key = jax.random.key(seed)
    k1, k2, k3, k4 = jax.random.split(key, 4)
    pos_x = jax.random.normal(k1, (N, D), dtype=jnp.float32)
    neg_x = jax.random.normal(k2, (N, D), dtype=jnp.float32)
    edge_index = jax.random.randint(k3, (2, E), 0, N, dtype=jnp.int32)
    # learned weight, TruncatedNormal(stddev=1/sqrt(D)) approximated with scaled normal
    W = jax.random.normal(k4, (D, UNITS), dtype=jnp.float32) * (1.0 / np.sqrt(D))
    return {"pos_x": pos_x, "neg_x": neg_x, "edge_index": edge_index, "W": W}


def _propagate(x, src, dst):
    # sparse adjacency matmul A @ x, where A is the unweighted adjacency
    # defined by edge_index: row=dst, col=src.  Equivalent to
    # tf.sparse.sparse_dense_matmul(A, x).
    return jax.ops.segment_sum(x[src], dst, num_segments=N)


def reference(pos_x, neg_x, edge_index, W):
    src = edge_index[0]
    dst = edge_index[1]
    # pos_y = A @ (pos_x @ W); neg_y = A @ (neg_x @ W)
    pos_y = _propagate(pos_x @ W, src, dst)
    neg_y = _propagate(neg_x @ W, src, dst)
    # second hop: pos_y = A @ pos_y; neg_y = A @ neg_y
    pos_y = _propagate(pos_y, src, dst)
    neg_y = _propagate(neg_y, src, dst)
    return (pos_y, neg_y)

if __name__ == "__main__":
    import jax
    _d = setup_inputs()
    print(jax.jit(kernel)(*tuple(_d.values())))

</pallas_src>

<mosaic_0001>
#map = affine_map<(d0, d1) -> (0, 0)>
#map1 = affine_map<(d0, d1) -> (0, 0, 0)>
module attributes {stable_mosaic.version = 14 : i64} {
  func.func @sc(%arg0: i32, %arg1: i32, %arg2: memref<20480x128xf32, #tpu.memory_space<hbm>>, %arg3: memref<2x1280x128xi32, #tpu.memory_space<hbm>>, %arg4: memref<1280x128xi32, #tpu.memory_space<hbm>>, %arg5: memref<640x128xf32, #tpu.memory_space<hbm>>, %arg6: memref<20480x128xf32, #tpu.memory_space<hbm>>, %arg7: memref<20480x128xf32, #tpu.memory_space<hbm>>, %arg8: memref<2x128xi32, #tpu.memory_space<vmem>>, %arg9: memref<2x128xi32, #tpu.memory_space<vmem>>, %arg10: memref<256x128xf32, #tpu.memory_space<vmem>>, %arg11: memref<10240x128xf32, #tpu.memory_space<vmem_shared>>, %arg12: memref<!tpu.dma_semaphore, #tpu.memory_space<semaphore_mem>>) attributes {dimension_semantics = [#tpu.dimension_semantics<core_parallel>, #tpu.dimension_semantics<subcore_parallel>], iteration_bounds = array<i64: 2, 16>, scalar_prefetch = 0 : i64, scratch_operands = 5 : i64, tpu.core_type = #tpu.core_type<sc_vector_subcore>, window_params = [{transform_indices = #map}, {transform_indices = #map1}, {transform_indices = #map}, {transform_indices = #map}, {transform_indices = #map}, {transform_indices = #map}]} {
    %mul3A = arith.constant 640 : i32
    %mul3A_0 = arith.muli %arg1, %mul3A : i32
    "tpu.region"() ({
      %run_scoped3A = tpu.sem_alloc : memref<!tpu.dma_semaphore, #tpu.memory_space<semaphore_mem>>
      %dma_start3A = arith.constant 0 : i32
      %dma_start3A_20 = tpu.memref_slice %arg11[%mul3A_0, %dma_start3A] : memref<10240x128xf32, #tpu.memory_space<vmem_shared>> -> memref<640x128xf32, #tpu.memory_space<vmem_shared>>
      tpu.enqueue_dma source(%arg5 : memref<640x128xf32, #tpu.memory_space<hbm>>) target(%dma_start3A_20 : memref<640x128xf32, #tpu.memory_space<vmem_shared>>) target_semaphore(%run_scoped3A : memref<!tpu.dma_semaphore, #tpu.memory_space<semaphore_mem>>)
      %dma_wait3A = arith.constant 0 : i32
      %dma_wait3A_21 = tpu.memref_slice %arg11[%mul3A_0, %dma_wait3A] : memref<10240x128xf32, #tpu.memory_space<vmem_shared>> -> memref<640x128xf32, #tpu.memory_space<vmem_shared>>
      tpu.wait_dma2 semaphore(%run_scoped3A : memref<!tpu.dma_semaphore, #tpu.memory_space<semaphore_mem>>) src(%arg5 : memref<640x128xf32, #tpu.memory_space<hbm>>) dst(%dma_wait3A_21 : memref<640x128xf32, #tpu.memory_space<vmem_shared>>)
      tpu.yield
    }) : () -> ()
    %barrier3A = arith.constant 0 : index
    tpu.barrier barrier_id(%barrier3A)
    %scan3A = arith.constant 0 : i32
    %scan3A_1 = arith.constant 0 : i32
    %scan3A_2 = arith.constant 40 : i32
    %scan3A_3 = arith.addi %scan3A_1, %scan3A_2 : i32
    %scan3A_4 = arith.constant 1 : i32
    scf.for %scan3A_20 = %scan3A_1 to %scan3A_3 step %scan3A_4  : i32 {
      %mul3A_21 = arith.constant 80 : i32
      %mul3A_22 = arith.muli %arg1, %mul3A_21 : i32
      %mul3A_23 = arith.constant 2 : i32
      %mul3A_24 = arith.muli %scan3A_20, %mul3A_23 : i32
      %add3A_25 = arith.addi %mul3A_22, %mul3A_24 : i32
      "tpu.region"() ({
        %run_scoped3A_65 = tpu.sem_alloc : memref<!tpu.dma_semaphore, #tpu.memory_space<semaphore_mem>>
        %dma_start3A_66 = arith.constant 0 : i32
        %dma_start3A_67 = tpu.memref_slice %arg3[%arg0, %add3A_25, %dma_start3A_66] : memref<2x1280x128xi32, #tpu.memory_space<hbm>> -> memref<1x2x128xi32, #tpu.memory_space<hbm>>
        %dma_start3A_68 = tpu.memref_squeeze %dma_start3A_67 : memref<1x2x128xi32, #tpu.memory_space<hbm>> -> memref<2x128xi32, #tpu.memory_space<hbm>>
        %dma_start3A_69 = arith.constant 0 : i32
        %dma_start3A_70 = tpu.memref_slice %arg3[%arg0, %add3A_25, %dma_start3A_69] : memref<2x1280x128xi32, #tpu.memory_space<hbm>> -> memref<1x2x128xi32, #tpu.memory_space<hbm>>
        %dma_start3A_71 = tpu.memref_squeeze %dma_start3A_70 : memref<1x2x128xi32, #tpu.memory_space<hbm>> -> memref<2x128xi32, #tpu.memory_space<hbm>>
        tpu.enqueue_dma source(%dma_start3A_71 : memref<2x128xi32, #tpu.memory_space<hbm>>) target(%arg8 : memref<2x128xi32, #tpu.memory_space<vmem>>) target_semaphore(%run_scoped3A_65 : memref<!tpu.dma_semaphore, #tpu.memory_space<semaphore_mem>>)
        %dma_wait3A_72 = arith.constant 0 : i32
        %dma_wait3A_73 = tpu.memref_slice %arg3[%arg0, %add3A_25, %dma_wait3A_72] : memref<2x1280x128xi32, #tpu.memory_space<hbm>> -> memref<1x2x128xi32, #tpu.memory_space<hbm>>
        %dma_wait3A_74 = tpu.memref_squeeze %dma_wait3A_73 : memref<1x2x128xi32, #tpu.memory_space<hbm>> -> memref<2x128xi32, #tpu.memory_space<hbm>>
        %dma_wait3A_75 = arith.constant 0 : i32
        %dma_wait3A_76 = tpu.memref_slice %arg3[%arg0, %add3A_25, %dma_wait3A_75] : memref<2x1280x128xi32, #tpu.memory_space<hbm>> -> memref<1x2x128xi32, #tpu.memory_space<hbm>>
        %dma_wait3A_77 = tpu.memref_squeeze %dma_wait3A_76 : memref<1x2x128xi32, #tpu.memory_space<hbm>> -> memref<2x128xi32, #tpu.memory_space<hbm>>
        tpu.wait_dma2 semaphore(%run_scoped3A_65 : memref<!tpu.dma_semaphore, #tpu.memory_space<semaphore_mem>>) src(%dma_wait3A_77 : memref<2x128xi32, #tpu.memory_space<hbm>>) dst(%arg8 : memref<2x128xi32, #tpu.memory_space<vmem>>)
        tpu.yield
      }) : () -> ()
      "tpu.region"() ({
        %run_scoped3A_65 = tpu.sem_alloc : memref<!tpu.dma_semaphore, #tpu.memory_space<semaphore_mem>>
        %dma_start3A_66 = arith.constant 0 : i32
        %dma_start3A_67 = tpu.memref_slice %arg4[%add3A_25, %dma_start3A_66] : memref<1280x128xi32, #tpu.memory_space<hbm>> -> memref<2x128xi32, #tpu.memory_space<hbm>>
        %dma_start3A_68 = arith.constant 0 : i32
        %dma_start3A_69 = tpu.memref_slice %arg4[%add3A_25, %dma_start3A_68] : memref<1280x128xi32, #tpu.memory_space<hbm>> -> memref<2x128xi32, #tpu.memory_space<hbm>>
        tpu.enqueue_dma source(%dma_start3A_69 : memref<2x128xi32, #tpu.memory_space<hbm>>) target(%arg9 : memref<2x128xi32, #tpu.memory_space<vmem>>) target_semaphore(%run_scoped3A_65 : memref<!tpu.dma_semaphore, #tpu.memory_space<semaphore_mem>>)
        %dma_wait3A_70 = arith.constant 0 : i32
        %dma_wait3A_71 = tpu.memref_slice %arg4[%add3A_25, %dma_wait3A_70] : memref<1280x128xi32, #tpu.memory_space<hbm>> -> memref<2x128xi32, #tpu.memory_space<hbm>>
        %dma_wait3A_72 = arith.constant 0 : i32
        %dma_wait3A_73 = tpu.memref_slice %arg4[%add3A_25, %dma_wait3A_72] : memref<1280x128xi32, #tpu.memory_space<hbm>> -> memref<2x128xi32, #tpu.memory_space<hbm>>
        tpu.wait_dma2 semaphore(%run_scoped3A_65 : memref<!tpu.dma_semaphore, #tpu.memory_space<semaphore_mem>>) src(%dma_wait3A_73 : memref<2x128xi32, #tpu.memory_space<hbm>>) dst(%arg9 : memref<2x128xi32, #tpu.memory_space<vmem>>)
        tpu.yield
      }) : () -> ()
      %dma_start3A = arith.constant 0 : i32
      %dma_start3A_26 = arith.constant 0 : i32
      %dma_start3A_27 = arith.constant 0 : i32
      %dma_start3A_28 = tpu.memref_slice %arg10[%dma_start3A_26, %dma_start3A_27] : memref<256x128xf32, #tpu.memory_space<vmem>> -> memref<128x128xf32, #tpu.memory_space<vmem>>
      %dma_start3A_29 = arith.constant 0 : i32
      %dma_start3A_30 = tpu.memref_slice %arg8[%dma_start3A, %dma_start3A_29] : memref<2x128xi32, #tpu.memory_space<vmem>> -> memref<1x128xi32, #tpu.memory_space<vmem>>
      %dma_start3A_31 = tpu.memref_squeeze %dma_start3A_30 : memref<1x128xi32, #tpu.memory_space<vmem>> -> memref<128xi32, #tpu.memory_space<vmem>>
      %dma_start3A_32 = arith.constant 0 : i32
      %dma_start3A_33 = arith.constant 0 : i32
      %dma_start3A_34 = tpu.memref_slice %arg2[%dma_start3A_32, %dma_start3A_33] : memref<20480x128xf32, #tpu.memory_space<hbm>> -> memref<20480x128xf32, #tpu.memory_space<hbm>>
      tpu.enqueue_indirect_dma source(%dma_start3A_34 : memref<20480x128xf32, #tpu.memory_space<hbm>>) target(%dma_start3A_28 : memref<128x128xf32, #tpu.memory_space<vmem>>) offsets(%dma_start3A_31 : memref<128xi32, #tpu.memory_space<vmem>>) semaphore(%arg12 : memref<!tpu.dma_semaphore, #tpu.memory_space<semaphore_mem>>)
      %dma_start3A_35 = arith.constant 1 : i32
      %dma_start3A_36 = arith.constant 128 : i32
      %dma_start3A_37 = arith.constant 0 : i32
      %dma_start3A_38 = tpu.memref_slice %arg10[%dma_start3A_36, %dma_start3A_37] : memref<256x128xf32, #tpu.memory_space<vmem>> -> memref<128x128xf32, #tpu.memory_space<vmem>>
      %dma_start3A_39 = arith.constant 0 : i32
      %dma_start3A_40 = tpu.memref_slice %arg8[%dma_start3A_35, %dma_start3A_39] : memref<2x128xi32, #tpu.memory_space<vmem>> -> memref<1x128xi32, #tpu.memory_space<vmem>>
      %dma_start3A_41 = tpu.memref_squeeze %dma_start3A_40 : memref<1x128xi32, #tpu.memory_space<vmem>> -> memref<128xi32, #tpu.memory_space<vmem>>
      %dma_start3A_42 = arith.constant 0 : i32
      %dma_start3A_43 = arith.constant 0 : i32
      %dma_start3A_44 = tpu.memref_slice %arg2[%dma_start3A_42, %dma_start3A_43] : memref<20480x128xf32, #tpu.memory_space<hbm>> -> memref<20480x128xf32, #tpu.memory_space<hbm>>
      tpu.enqueue_indirect_dma source(%dma_start3A_44 : memref<20480x128xf32, #tpu.memory_space<hbm>>) target(%dma_start3A_38 : memref<128x128xf32, #tpu.memory_space<vmem>>) offsets(%dma_start3A_41 : memref<128xi32, #tpu.memory_space<vmem>>) semaphore(%arg12 : memref<!tpu.dma_semaphore, #tpu.memory_space<semaphore_mem>>)
      %dma_wait3A = arith.constant 0 : i32
      %dma_wait3A_45 = arith.constant 0 : i32
      %dma_wait3A_46 = arith.constant 0 : i32
      %dma_wait3A_47 = tpu.memref_slice %arg10[%dma_wait3A_45, %dma_wait3A_46] : memref<256x128xf32, #tpu.memory_space<vmem>> -> memref<128x128xf32, #tpu.memory_space<vmem>>
      %dma_wait3A_48 = arith.constant 0 : i32
      %dma_wait3A_49 = tpu.memref_slice %arg8[%dma_wait3A, %dma_wait3A_48] : memref<2x128xi32, #tpu.memory_space<vmem>> -> memref<1x128xi32, #tpu.memory_space<vmem>>
      %dma_wait3A_50 = tpu.memref_squeeze %dma_wait3A_49 : memref<1x128xi32, #tpu.memory_space<vmem>> -> memref<128xi32, #tpu.memory_space<vmem>>
      %dma_wait3A_51 = arith.constant 0 : i32
      %dma_wait3A_52 = arith.constant 0 : i32
      %dma_wait3A_53 = tpu.memref_slice %arg2[%dma_wait3A_51, %dma_wait3A_52] : memref<20480x128xf32, #tpu.memory_space<hbm>> -> memref<20480x128xf32, #tpu.memory_space<hbm>>
      tpu.wait_indirect_dma semaphore(%arg12 : memref<!tpu.dma_semaphore, #tpu.memory_space<semaphore_mem>>) src(%dma_wait3A_53 : memref<20480x128xf32, #tpu.memory_space<hbm>>) dst(%dma_wait3A_47 : memref<128x128xf32, #tpu.memory_space<vmem>>)
      %dma_wait3A_54 = arith.constant 1 : i32
      %dma_wait3A_55 = arith.constant 128 : i32
      %dma_wait3A_56 = arith.constant 0 : i32
      %dma_wait3A_57 = tpu.memref_slice %arg10[%dma_wait3A_55, %dma_wait3A_56] : memref<256x128xf32, #tpu.memory_space<vmem>> -> memref<128x128xf32, #tpu.memory_space<vmem>>
      %dma_wait3A_58 = arith.constant 0 : i32
      %dma_wait3A_59 = tpu.memref_slice %arg8[%dma_wait3A_54, %dma_wait3A_58] : memref<2x128xi32, #tpu.memory_space<vmem>> -> memref<1x128xi32, #tpu.memory_space<vmem>>
      %dma_wait3A_60 = tpu.memref_squeeze %dma_wait3A_59 : memref<1x128xi32, #tpu.memory_space<vmem>> -> memref<128xi32, #tpu.memory_space<vmem>>
      %dma_wait3A_61 = arith.constant 0 : i32
      %dma_wait3A_62 = arith.constant 0 : i32
      %dma_wait3A_63 = tpu.memref_slice %arg2[%dma_wait3A_61, %dma_wait3A_62] : memref<20480x128xf32, #tpu.memory_space<hbm>> -> memref<20480x128xf32, #tpu.memory_space<hbm>>
      tpu.wait_indirect_dma semaphore(%arg12 : memref<!tpu.dma_semaphore, #tpu.memory_space<semaphore_mem>>) src(%dma_wait3A_63 : memref<20480x128xf32, #tpu.memory_space<hbm>>) dst(%dma_wait3A_57 : memref<128x128xf32, #tpu.memory_space<vmem>>)
      %run_scoped3A = arith.constant 0 : i32
      "tpu.region"() ({
        %run_scoped3A_65 = tpu.sem_alloc : memref<!tpu.dma_semaphore, #tpu.memory_space<semaphore_mem>>
        %dma_start3A_66 = arith.constant 0 : i32
        %dma_start3A_67 = arith.constant 0 : i32
        %dma_start3A_68 = tpu.memref_slice %arg10[%dma_start3A_66, %dma_start3A_67] : memref<256x128xf32, #tpu.memory_space<vmem>> -> memref<128x128xf32, #tpu.memory_space<vmem>>
        %dma_start3A_69 = arith.constant 0 : i32
        %dma_start3A_70 = tpu.memref_slice %arg9[%run_scoped3A, %dma_start3A_69] : memref<2x128xi32, #tpu.memory_space<vmem>> -> memref<1x128xi32, #tpu.memory_space<vmem>>
        %dma_start3A_71 = tpu.memref_squeeze %dma_start3A_70 : memref<1x128xi32, #tpu.memory_space<vmem>> -> memref<128xi32, #tpu.memory_space<vmem>>
        %dma_start3A_72 = arith.constant 0 : i32
        %dma_start3A_73 = arith.constant 0 : i32
        %dma_start3A_74 = tpu.memref_slice %arg11[%dma_start3A_72, %dma_start3A_73] : memref<10240x128xf32, #tpu.memory_space<vmem_shared>> -> memref<10240x128xf32, #tpu.memory_space<vmem_shared>>
        tpu.enqueue_indirect_dma source(%dma_start3A_68 : memref<128x128xf32, #tpu.memory_space<vmem>>) target(%dma_start3A_74 : memref<10240x128xf32, #tpu.memory_space<vmem_shared>>) offsets(%dma_start3A_71 : memref<128xi32, #tpu.memory_space<vmem>>) semaphore(%run_scoped3A_65 : memref<!tpu.dma_semaphore, #tpu.memory_space<semaphore_mem>>) {add = true}
        %dma_wait3A_75 = arith.constant 0 : i32
        %dma_wait3A_76 = arith.constant 0 : i32
        %dma_wait3A_77 = tpu.memref_slice %arg10[%dma_wait3A_75, %dma_wait3A_76] : memref<256x128xf32, #tpu.memory_space<vmem>> -> memref<128x128xf32, #tpu.memory_space<vmem>>
        %dma_wait3A_78 = arith.constant 0 : i32
        %dma_wait3A_79 = tpu.memref_slice %arg9[%run_scoped3A, %dma_wait3A_78] : memref<2x128xi32, #tpu.memory_space<vmem>> -> memref<1x128xi32, #tpu.memory_space<vmem>>
        %dma_wait3A_80 = tpu.memref_squeeze %dma_wait3A_79 : memref<1x128xi32, #tpu.memory_space<vmem>> -> memref<128xi32, #tpu.memory_space<vmem>>
        %dma_wait3A_81 = arith.constant 0 : i32
        %dma_wait3A_82 = arith.constant 0 : i32
        %dma_wait3A_83 = tpu.memref_slice %arg11[%dma_wait3A_81, %dma_wait3A_82] : memref<10240x128xf32, #tpu.memory_space<vmem_shared>> -> memref<10240x128xf32, #tpu.memory_space<vmem_shared>>
        tpu.wait_indirect_dma semaphore(%run_scoped3A_65 : memref<!tpu.dma_semaphore, #tpu.memory_space<semaphore_mem>>) src(%dma_wait3A_77 : memref<128x128xf32, #tpu.memory_space<vmem>>) dst(%dma_wait3A_83 : memref<10240x128xf32, #tpu.memory_space<vmem_shared>>)
        tpu.yield
      }) : () -> ()
      %run_scoped3A_64 = arith.constant 1 : i32
      "tpu.region"() ({
        %run_scoped3A_65 = tpu.sem_alloc : memref<!tpu.dma_semaphore, #tpu.memory_space<semaphore_mem>>
        %dma_start3A_66 = arith.constant 128 : i32
        %dma_start3A_67 = arith.constant 0 : i32
        %dma_start3A_68 = tpu.memref_slice %arg10[%dma_start3A_66, %dma_start3A_67] : memref<256x128xf32, #tpu.memory_space<vmem>> -> memref<128x128xf32, #tpu.memory_space<vmem>>
        %dma_start3A_69 = arith.constant 0 : i32
        %dma_start3A_70 = tpu.memref_slice %arg9[%run_scoped3A_64, %dma_start3A_69] : memref<2x128xi32, #tpu.memory_space<vmem>> -> memref<1x128xi32, #tpu.memory_space<vmem>>
        %dma_start3A_71 = tpu.memref_squeeze %dma_start3A_70 : memref<1x128xi32, #tpu.memory_space<vmem>> -> memref<128xi32, #tpu.memory_space<vmem>>
        %dma_start3A_72 = arith.constant 0 : i32
        %dma_start3A_73 = arith.constant 0 : i32
        %dma_start3A_74 = tpu.memref_slice %arg11[%dma_start3A_72, %dma_start3A_73] : memref<10240x128xf32, #tpu.memory_space<vmem_shared>> -> memref<10240x128xf32, #tpu.memory_space<vmem_shared>>
        tpu.enqueue_indirect_dma source(%dma_start3A_68 : memref<128x128xf32, #tpu.memory_space<vmem>>) target(%dma_start3A_74 : memref<10240x128xf32, #tpu.memory_space<vmem_shared>>) offsets(%dma_start3A_71 : memref<128xi32, #tpu.memory_space<vmem>>) semaphore(%run_scoped3A_65 : memref<!tpu.dma_semaphore, #tpu.memory_space<semaphore_mem>>) {add = true}
        %dma_wait3A_75 = arith.constant 128 : i32
        %dma_wait3A_76 = arith.constant 0 : i32
        %dma_wait3A_77 = tpu.memref_slice %arg10[%dma_wait3A_75, %dma_wait3A_76] : memref<256x128xf32, #tpu.memory_space<vmem>> -> memref<128x128xf32, #tpu.memory_space<vmem>>
        %dma_wait3A_78 = arith.constant 0 : i32
        %dma_wait3A_79 = tpu.memref_slice %arg9[%run_scoped3A_64, %dma_wait3A_78] : memref<2x128xi32, #tpu.memory_space<vmem>> -> memref<1x128xi32, #tpu.memory_space<vmem>>
        %dma_wait3A_80 = tpu.memref_squeeze %dma_wait3A_79 : memref<1x128xi32, #tpu.memory_space<vmem>> -> memref<128xi32, #tpu.memory_space<vmem>>
        %dma_wait3A_81 = arith.constant 0 : i32
        %dma_wait3A_82 = arith.constant 0 : i32
        %dma_wait3A_83 = tpu.memref_slice %arg11[%dma_wait3A_81, %dma_wait3A_82] : memref<10240x128xf32, #tpu.memory_space<vmem_shared>> -> memref<10240x128xf32, #tpu.memory_space<vmem_shared>>
        tpu.wait_indirect_dma semaphore(%run_scoped3A_65 : memref<!tpu.dma_semaphore, #tpu.memory_space<semaphore_mem>>) src(%dma_wait3A_77 : memref<128x128xf32, #tpu.memory_space<vmem>>) dst(%dma_wait3A_83 : memref<10240x128xf32, #tpu.memory_space<vmem_shared>>)
        tpu.yield
      }) : () -> ()
    }
    %scan3A_5 = arith.constant 40 : i32
    %barrier3A_6 = arith.constant 0 : index
    tpu.barrier barrier_id(%barrier3A_6)
    %mul3A_7 = arith.constant 10240 : i32
    %mul3A_8 = arith.muli %arg0, %mul3A_7 : i32
    %add3A = arith.addi %mul3A_8, %mul3A_0 : i32
    "tpu.region"() ({
      %run_scoped3A = tpu.sem_alloc : memref<!tpu.dma_semaphore, #tpu.memory_space<semaphore_mem>>
      %dma_start3A = arith.constant 0 : i32
      %dma_start3A_20 = tpu.memref_slice %arg7[%add3A, %dma_start3A] : memref<20480x128xf32, #tpu.memory_space<hbm>> -> memref<640x128xf32, #tpu.memory_space<hbm>>
      %dma_start3A_21 = arith.constant 0 : i32
      %dma_start3A_22 = tpu.memref_slice %arg11[%mul3A_0, %dma_start3A_21] : memref<10240x128xf32, #tpu.memory_space<vmem_shared>> -> memref<640x128xf32, #tpu.memory_space<vmem_shared>>
      tpu.enqueue_dma source(%dma_start3A_22 : memref<640x128xf32, #tpu.memory_space<vmem_shared>>) target(%dma_start3A_20 : memref<640x128xf32, #tpu.memory_space<hbm>>) target_semaphore(%run_scoped3A : memref<!tpu.dma_semaphore, #tpu.memory_space<semaphore_mem>>)
      %dma_wait3A = arith.constant 0 : i32
      %dma_wait3A_23 = tpu.memref_slice %arg7[%add3A, %dma_wait3A] : memref<20480x128xf32, #tpu.memory_space<hbm>> -> memref<640x128xf32, #tpu.memory_space<hbm>>
      %dma_wait3A_24 = arith.constant 0 : i32
      %dma_wait3A_25 = tpu.memref_slice %arg11[%mul3A_0, %dma_wait3A_24] : memref<10240x128xf32, #tpu.memory_space<vmem_shared>> -> memref<640x128xf32, #tpu.memory_space<vmem_shared>>
      tpu.wait_dma2 semaphore(%run_scoped3A : memref<!tpu.dma_semaphore, #tpu.memory_space<semaphore_mem>>) src(%dma_wait3A_25 : memref<640x128xf32, #tpu.memory_space<vmem_shared>>) dst(%dma_wait3A_23 : memref<640x128xf32, #tpu.memory_space<hbm>>)
      tpu.yield
    }) : () -> ()
    "tpu.region"() ({
      %run_scoped3A = tpu.sem_alloc : memref<!tpu.dma_semaphore, #tpu.memory_space<semaphore_mem>>
      %dma_start3A = arith.constant 0 : i32
      %dma_start3A_20 = tpu.memref_slice %arg11[%mul3A_0, %dma_start3A] : memref<10240x128xf32, #tpu.memory_space<vmem_shared>> -> memref<640x128xf32, #tpu.memory_space<vmem_shared>>
      tpu.enqueue_dma source(%arg5 : memref<640x128xf32, #tpu.memory_space<hbm>>) target(%dma_start3A_20 : memref<640x128xf32, #tpu.memory_space<vmem_shared>>) target_semaphore(%run_scoped3A : memref<!tpu.dma_semaphore, #tpu.memory_space<semaphore_mem>>)
      %dma_wait3A = arith.constant 0 : i32
      %dma_wait3A_21 = tpu.memref_slice %arg11[%mul3A_0, %dma_wait3A] : memref<10240x128xf32, #tpu.memory_space<vmem_shared>> -> memref<640x128xf32, #tpu.memory_space<vmem_shared>>
      tpu.wait_dma2 semaphore(%run_scoped3A : memref<!tpu.dma_semaphore, #tpu.memory_space<semaphore_mem>>) src(%arg5 : memref<640x128xf32, #tpu.memory_space<hbm>>) dst(%dma_wait3A_21 : memref<640x128xf32, #tpu.memory_space<vmem_shared>>)
      tpu.yield
    }) : () -> ()
    %barrier3A_9 = arith.constant 0 : index
    tpu.barrier barrier_id(%barrier3A_9)
    %scan3A_10 = arith.constant 0 : i32
    %scan3A_11 = arith.constant 0 : i32
    %scan3A_12 = arith.constant 40 : i32
    %scan3A_13 = arith.addi %scan3A_11, %scan3A_12 : i32
    %scan3A_14 = arith.constant 1 : i32
    scf.for %scan3A_20 = %scan3A_11 to %scan3A_13 step %scan3A_14  : i32 {
      %mul3A_21 = arith.constant 80 : i32
      %mul3A_22 = arith.muli %arg1, %mul3A_21 : i32
      %mul3A_23 = arith.constant 2 : i32
      %mul3A_24 = arith.muli %scan3A_20, %mul3A_23 : i32
      %add3A_25 = arith.addi %mul3A_22, %mul3A_24 : i32
      "tpu.region"() ({
        %run_scoped3A_65 = tpu.sem_alloc : memref<!tpu.dma_semaphore, #tpu.memory_space<semaphore_mem>>
        %dma_start3A_66 = arith.constant 0 : i32
        %dma_start3A_67 = tpu.memref_slice %arg3[%arg0, %add3A_25, %dma_start3A_66] : memref<2x1280x128xi32, #tpu.memory_space<hbm>> -> memref<1x2x128xi32, #tpu.memory_space<hbm>>
        %dma_start3A_68 = tpu.memref_squeeze %dma_start3A_67 : memref<1x2x128xi32, #tpu.memory_space<hbm>> -> memref<2x128xi32, #tpu.memory_space<hbm>>
        %dma_start3A_69 = arith.constant 0 : i32
        %dma_start3A_70 = tpu.memref_slice %arg3[%arg0, %add3A_25, %dma_start3A_69] : memref<2x1280x128xi32, #tpu.memory_space<hbm>> -> memref<1x2x128xi32, #tpu.memory_space<hbm>>
        %dma_start3A_71 = tpu.memref_squeeze %dma_start3A_70 : memref<1x2x128xi32, #tpu.memory_space<hbm>> -> memref<2x128xi32, #tpu.memory_space<hbm>>
        tpu.enqueue_dma source(%dma_start3A_71 : memref<2x128xi32, #tpu.memory_space<hbm>>) target(%arg8 : memref<2x128xi32, #tpu.memory_space<vmem>>) target_semaphore(%run_scoped3A_65 : memref<!tpu.dma_semaphore, #tpu.memory_space<semaphore_mem>>)
        %dma_wait3A_72 = arith.constant 0 : i32
        %dma_wait3A_73 = tpu.memref_slice %arg3[%arg0, %add3A_25, %dma_wait3A_72] : memref<2x1280x128xi32, #tpu.memory_space<hbm>> -> memref<1x2x128xi32, #tpu.memory_space<hbm>>
        %dma_wait3A_74 = tpu.memref_squeeze %dma_wait3A_73 : memref<1x2x128xi32, #tpu.memory_space<hbm>> -> memref<2x128xi32, #tpu.memory_space<hbm>>
        %dma_wait3A_75 = arith.constant 0 : i32
        %dma_wait3A_76 = tpu.memref_slice %arg3[%arg0, %add3A_25, %dma_wait3A_75] : memref<2x1280x128xi32, #tpu.memory_space<hbm>> -> memref<1x2x128xi32, #tpu.memory_space<hbm>>
        %dma_wait3A_77 = tpu.memref_squeeze %dma_wait3A_76 : memref<1x2x128xi32, #tpu.memory_space<hbm>> -> memref<2x128xi32, #tpu.memory_space<hbm>>
        tpu.wait_dma2 semaphore(%run_scoped3A_65 : memref<!tpu.dma_semaphore, #tpu.memory_space<semaphore_mem>>) src(%dma_wait3A_77 : memref<2x128xi32, #tpu.memory_space<hbm>>) dst(%arg8 : memref<2x128xi32, #tpu.memory_space<vmem>>)
        tpu.yield
      }) : () -> ()
      "tpu.region"() ({
        %run_scoped3A_65 = tpu.sem_alloc : memref<!tpu.dma_semaphore, #tpu.memory_space<semaphore_mem>>
        %dma_start3A_66 = arith.constant 0 : i32
        %dma_start3A_67 = tpu.memref_slice %arg4[%add3A_25, %dma_start3A_66] : memref<1280x128xi32, #tpu.memory_space<hbm>> -> memref<2x128xi32, #tpu.memory_space<hbm>>
        %dma_start3A_68 = arith.constant 0 : i32
        %dma_start3A_69 = tpu.memref_slice %arg4[%add3A_25, %dma_start3A_68] : memref<1280x128xi32, #tpu.memory_space<hbm>> -> memref<2x128xi32, #tpu.memory_space<hbm>>
        tpu.enqueue_dma source(%dma_start3A_69 : memref<2x128xi32, #tpu.memory_space<hbm>>) target(%arg9 : memref<2x128xi32, #tpu.memory_space<vmem>>) target_semaphore(%run_scoped3A_65 : memref<!tpu.dma_semaphore, #tpu.memory_space<semaphore_mem>>)
        %dma_wait3A_70 = arith.constant 0 : i32
        %dma_wait3A_71 = tpu.memref_slice %arg4[%add3A_25, %dma_wait3A_70] : memref<1280x128xi32, #tpu.memory_space<hbm>> -> memref<2x128xi32, #tpu.memory_space<hbm>>
        %dma_wait3A_72 = arith.constant 0 : i32
        %dma_wait3A_73 = tpu.memref_slice %arg4[%add3A_25, %dma_wait3A_72] : memref<1280x128xi32, #tpu.memory_space<hbm>> -> memref<2x128xi32, #tpu.memory_space<hbm>>
        tpu.wait_dma2 semaphore(%run_scoped3A_65 : memref<!tpu.dma_semaphore, #tpu.memory_space<semaphore_mem>>) src(%dma_wait3A_73 : memref<2x128xi32, #tpu.memory_space<hbm>>) dst(%arg9 : memref<2x128xi32, #tpu.memory_space<vmem>>)
        tpu.yield
      }) : () -> ()
      %dma_start3A = arith.constant 0 : i32
      %dma_start3A_26 = arith.constant 0 : i32
      %dma_start3A_27 = arith.constant 0 : i32
      %dma_start3A_28 = tpu.memref_slice %arg10[%dma_start3A_26, %dma_start3A_27] : memref<256x128xf32, #tpu.memory_space<vmem>> -> memref<128x128xf32, #tpu.memory_space<vmem>>
      %dma_start3A_29 = arith.constant 0 : i32
      %dma_start3A_30 = tpu.memref_slice %arg8[%dma_start3A, %dma_start3A_29] : memref<2x128xi32, #tpu.memory_space<vmem>> -> memref<1x128xi32, #tpu.memory_space<vmem>>
      %dma_start3A_31 = tpu.memref_squeeze %dma_start3A_30 : memref<1x128xi32, #tpu.memory_space<vmem>> -> memref<128xi32, #tpu.memory_space<vmem>>
      %dma_start3A_32 = arith.constant 0 : i32
      %dma_start3A_33 = arith.constant 0 : i32
      %dma_start3A_34 = tpu.memref_slice %arg7[%dma_start3A_32, %dma_start3A_33] : memref<20480x128xf32, #tpu.memory_space<hbm>> -> memref<20480x128xf32, #tpu.memory_space<hbm>>
      tpu.enqueue_indirect_dma source(%dma_start3A_34 : memref<20480x128xf32, #tpu.memory_space<hbm>>) target(%dma_start3A_28 : memref<128x128xf32, #tpu.memory_space<vmem>>) offsets(%dma_start3A_31 : memref<128xi32, #tpu.memory_space<vmem>>) semaphore(%arg12 : memref<!tpu.dma_semaphore, #tpu.memory_space<semaphore_mem>>)
      %dma_start3A_35 = arith.constant 1 : i32
      %dma_start3A_36 = arith.constant 128 : i32
      %dma_start3A_37 = arith.constant 0 : i32
      %dma_start3A_38 = tpu.memref_slice %arg10[%dma_start3A_36, %dma_start3A_37] : memref<256x128xf32, #tpu.memory_space<vmem>> -> memref<128x128xf32, #tpu.memory_space<vmem>>
      %dma_start3A_39 = arith.constant 0 : i32
      %dma_start3A_40 = tpu.memref_slice %arg8[%dma_start3A_35, %dma_start3A_39] : memref<2x128xi32, #tpu.memory_space<vmem>> -> memref<1x128xi32, #tpu.memory_space<vmem>>
      %dma_start3A_41 = tpu.memref_squeeze %dma_start3A_40 : memref<1x128xi32, #tpu.memory_space<vmem>> -> memref<128xi32, #tpu.memory_space<vmem>>
      %dma_start3A_42 = arith.constant 0 : i32
      %dma_start3A_43 = arith.constant 0 : i32
      %dma_start3A_44 = tpu.memref_slice %arg7[%dma_start3A_42, %dma_start3A_43] : memref<20480x128xf32, #tpu.memory_space<hbm>> -> memref<20480x128xf32, #tpu.memory_space<hbm>>
      tpu.enqueue_indirect_dma source(%dma_start3A_44 : memref<20480x128xf32, #tpu.memory_space<hbm>>) target(%dma_start3A_38 : memref<128x128xf32, #tpu.memory_space<vmem>>) offsets(%dma_start3A_41 : memref<128xi32, #tpu.memory_space<vmem>>) semaphore(%arg12 : memref<!tpu.dma_semaphore, #tpu.memory_space<semaphore_mem>>)
      %dma_wait3A = arith.constant 0 : i32
      %dma_wait3A_45 = arith.constant 0 : i32
      %dma_wait3A_46 = arith.constant 0 : i32
      %dma_wait3A_47 = tpu.memref_slice %arg10[%dma_wait3A_45, %dma_wait3A_46] : memref<256x128xf32, #tpu.memory_space<vmem>> -> memref<128x128xf32, #tpu.memory_space<vmem>>
      %dma_wait3A_48 = arith.constant 0 : i32
      %dma_wait3A_49 = tpu.memref_slice %arg8[%dma_wait3A, %dma_wait3A_48] : memref<2x128xi32, #tpu.memory_space<vmem>> -> memref<1x128xi32, #tpu.memory_space<vmem>>
      %dma_wait3A_50 = tpu.memref_squeeze %dma_wait3A_49 : memref<1x128xi32, #tpu.memory_space<vmem>> -> memref<128xi32, #tpu.memory_space<vmem>>
      %dma_wait3A_51 = arith.constant 0 : i32
      %dma_wait3A_52 = arith.constant 0 : i32
      %dma_wait3A_53 = tpu.memref_slice %arg7[%dma_wait3A_51, %dma_wait3A_52] : memref<20480x128xf32, #tpu.memory_space<hbm>> -> memref<20480x128xf32, #tpu.memory_space<hbm>>
      tpu.wait_indirect_dma semaphore(%arg12 : memref<!tpu.dma_semaphore, #tpu.memory_space<semaphore_mem>>) src(%dma_wait3A_53 : memref<20480x128xf32, #tpu.memory_space<hbm>>) dst(%dma_wait3A_47 : memref<128x128xf32, #tpu.memory_space<vmem>>)
      %dma_wait3A_54 = arith.constant 1 : i32
      %dma_wait3A_55 = arith.constant 128 : i32
      %dma_wait3A_56 = arith.constant 0 : i32
      %dma_wait3A_57 = tpu.memref_slice %arg10[%dma_wait3A_55, %dma_wait3A_56] : memref<256x128xf32, #tpu.memory_space<vmem>> -> memref<128x128xf32, #tpu.memory_space<vmem>>
      %dma_wait3A_58 = arith.constant 0 : i32
      %dma_wait3A_59 = tpu.memref_slice %arg8[%dma_wait3A_54, %dma_wait3A_58] : memref<2x128xi32, #tpu.memory_space<vmem>> -> memref<1x128xi32, #tpu.memory_space<vmem>>
      %dma_wait3A_60 = tpu.memref_squeeze %dma_wait3A_59 : memref<1x128xi32, #tpu.memory_space<vmem>> -> memref<128xi32, #tpu.memory_space<vmem>>
      %dma_wait3A_61 = arith.constant 0 : i32
      %dma_wait3A_62 = arith.constant 0 : i32
      %dma_wait3A_63 = tpu.memref_slice %arg7[%dma_wait3A_61, %dma_wait3A_62] : memref<20480x128xf32, #tpu.memory_space<hbm>> -> memref<20480x128xf32, #tpu.memory_space<hbm>>
      tpu.wait_indirect_dma semaphore(%arg12 : memref<!tpu.dma_semaphore, #tpu.memory_space<semaphore_mem>>) src(%dma_wait3A_63 : memref<20480x128xf32, #tpu.memory_space<hbm>>) dst(%dma_wait3A_57 : memref<128x128xf32, #tpu.memory_space<vmem>>)
      %run_scoped3A = arith.constant 0 : i32
      "tpu.region"() ({
        %run_scoped3A_65 = tpu.sem_alloc : memref<!tpu.dma_semaphore, #tpu.memory_space<semaphore_mem>>
        %dma_start3A_66 = arith.constant 0 : i32
        %dma_start3A_67 = arith.constant 0 : i32
        %dma_start3A_68 = tpu.memref_slice %arg10[%dma_start3A_66, %dma_start3A_67] : memref<256x128xf32, #tpu.memory_space<vmem>> -> memref<128x128xf32, #tpu.memory_space<vmem>>
        %dma_start3A_69 = arith.constant 0 : i32
        %dma_start3A_70 = tpu.memref_slice %arg9[%run_scoped3A, %dma_start3A_69] : memref<2x128xi32, #tpu.memory_space<vmem>> -> memref<1x128xi32, #tpu.memory_space<vmem>>
        %dma_start3A_71 = tpu.memref_squeeze %dma_start3A_70 : memref<1x128xi32, #tpu.memory_space<vmem>> -> memref<128xi32, #tpu.memory_space<vmem>>
        %dma_start3A_72 = arith.constant 0 : i32
        %dma_start3A_73 = arith.constant 0 : i32
        %dma_start3A_74 = tpu.memref_slice %arg11[%dma_start3A_72, %dma_start3A_73] : memref<10240x128xf32, #tpu.memory_space<vmem_shared>> -> memref<10240x128xf32, #tpu.memory_space<vmem_shared>>
        tpu.enqueue_indirect_dma source(%dma_start3A_68 : memref<128x128xf32, #tpu.memory_space<vmem>>) target(%dma_start3A_74 : memref<10240x128xf32, #tpu.memory_space<vmem_shared>>) offsets(%dma_start3A_71 : memref<128xi32, #tpu.memory_space<vmem>>) semaphore(%run_scoped3A_65 : memref<!tpu.dma_semaphore, #tpu.memory_space<semaphore_mem>>) {add = true}
        %dma_wait3A_75 = arith.constant 0 : i32
        %dma_wait3A_76 = arith.constant 0 : i32
        %dma_wait3A_77 = tpu.memref_slice %arg10[%dma_wait3A_75, %dma_wait3A_76] : memref<256x128xf32, #tpu.memory_space<vmem>> -> memref<128x128xf32, #tpu.memory_space<vmem>>
        %dma_wait3A_78 = arith.constant 0 : i32
        %dma_wait3A_79 = tpu.memref_slice %arg9[%run_scoped3A, %dma_wait3A_78] : memref<2x128xi32, #tpu.memory_space<vmem>> -> memref<1x128xi32, #tpu.memory_space<vmem>>
        %dma_wait3A_80 = tpu.memref_squeeze %dma_wait3A_79 : memref<1x128xi32, #tpu.memory_space<vmem>> -> memref<128xi32, #tpu.memory_space<vmem>>
        %dma_wait3A_81 = arith.constant 0 : i32
        %dma_wait3A_82 = arith.constant 0 : i32
        %dma_wait3A_83 = tpu.memref_slice %arg11[%dma_wait3A_81, %dma_wait3A_82] : memref<10240x128xf32, #tpu.memory_space<vmem_shared>> -> memref<10240x128xf32, #tpu.memory_space<vmem_shared>>
        tpu.wait_indirect_dma semaphore(%run_scoped3A_65 : memref<!tpu.dma_semaphore, #tpu.memory_space<semaphore_mem>>) src(%dma_wait3A_77 : memref<128x128xf32, #tpu.memory_space<vmem>>) dst(%dma_wait3A_83 : memref<10240x128xf32, #tpu.memory_space<vmem_shared>>)
        tpu.yield
      }) : () -> ()
      %run_scoped3A_64 = arith.constant 1 : i32
      "tpu.region"() ({
        %run_scoped3A_65 = tpu.sem_alloc : memref<!tpu.dma_semaphore, #tpu.memory_space<semaphore_mem>>
        %dma_start3A_66 = arith.constant 128 : i32
        %dma_start3A_67 = arith.constant 0 : i32
        %dma_start3A_68 = tpu.memref_slice %arg10[%dma_start3A_66, %dma_start3A_67] : memref<256x128xf32, #tpu.memory_space<vmem>> -> memref<128x128xf32, #tpu.memory_space<vmem>>
        %dma_start3A_69 = arith.constant 0 : i32
        %dma_start3A_70 = tpu.memref_slice %arg9[%run_scoped3A_64, %dma_start3A_69] : memref<2x128xi32, #tpu.memory_space<vmem>> -> memref<1x128xi32, #tpu.memory_space<vmem>>
        %dma_start3A_71 = tpu.memref_squeeze %dma_start3A_70 : memref<1x128xi32, #tpu.memory_space<vmem>> -> memref<128xi32, #tpu.memory_space<vmem>>
        %dma_start3A_72 = arith.constant 0 : i32
        %dma_start3A_73 = arith.constant 0 : i32
        %dma_start3A_74 = tpu.memref_slice %arg11[%dma_start3A_72, %dma_start3A_73] : memref<10240x128xf32, #tpu.memory_space<vmem_shared>> -> memref<10240x128xf32, #tpu.memory_space<vmem_shared>>
        tpu.enqueue_indirect_dma source(%dma_start3A_68 : memref<128x128xf32, #tpu.memory_space<vmem>>) target(%dma_start3A_74 : memref<10240x128xf32, #tpu.memory_space<vmem_shared>>) offsets(%dma_start3A_71 : memref<128xi32, #tpu.memory_space<vmem>>) semaphore(%run_scoped3A_65 : memref<!tpu.dma_semaphore, #tpu.memory_space<semaphore_mem>>) {add = true}
        %dma_wait3A_75 = arith.constant 128 : i32
        %dma_wait3A_76 = arith.constant 0 : i32
        %dma_wait3A_77 = tpu.memref_slice %arg10[%dma_wait3A_75, %dma_wait3A_76] : memref<256x128xf32, #tpu.memory_space<vmem>> -> memref<128x128xf32, #tpu.memory_space<vmem>>
        %dma_wait3A_78 = arith.constant 0 : i32
        %dma_wait3A_79 = tpu.memref_slice %arg9[%run_scoped3A_64, %dma_wait3A_78] : memref<2x128xi32, #tpu.memory_space<vmem>> -> memref<1x128xi32, #tpu.memory_space<vmem>>
        %dma_wait3A_80 = tpu.memref_squeeze %dma_wait3A_79 : memref<1x128xi32, #tpu.memory_space<vmem>> -> memref<128xi32, #tpu.memory_space<vmem>>
        %dma_wait3A_81 = arith.constant 0 : i32
        %dma_wait3A_82 = arith.constant 0 : i32
        %dma_wait3A_83 = tpu.memref_slice %arg11[%dma_wait3A_81, %dma_wait3A_82] : memref<10240x128xf32, #tpu.memory_space<vmem_shared>> -> memref<10240x128xf32, #tpu.memory_space<vmem_shared>>
        tpu.wait_indirect_dma semaphore(%run_scoped3A_65 : memref<!tpu.dma_semaphore, #tpu.memory_space<semaphore_mem>>) src(%dma_wait3A_77 : memref<128x128xf32, #tpu.memory_space<vmem>>) dst(%dma_wait3A_83 : memref<10240x128xf32, #tpu.memory_space<vmem_shared>>)
        tpu.yield
      }) : () -> ()
    }
    %scan3A_15 = arith.constant 40 : i32
    %barrier3A_16 = arith.constant 0 : index
    tpu.barrier barrier_id(%barrier3A_16)
    %mul3A_17 = arith.constant 10240 : i32
    %mul3A_18 = arith.muli %arg0, %mul3A_17 : i32
    %add3A_19 = arith.addi %mul3A_18, %mul3A_0 : i32
    "tpu.region"() ({
      %run_scoped3A = tpu.sem_alloc : memref<!tpu.dma_semaphore, #tpu.memory_space<semaphore_mem>>
      %dma_start3A = arith.constant 0 : i32
      %dma_start3A_20 = tpu.memref_slice %arg6[%add3A_19, %dma_start3A] : memref<20480x128xf32, #tpu.memory_space<hbm>> -> memref<640x128xf32, #tpu.memory_space<hbm>>
      %dma_start3A_21 = arith.constant 0 : i32
      %dma_start3A_22 = tpu.memref_slice %arg11[%mul3A_0, %dma_start3A_21] : memref<10240x128xf32, #tpu.memory_space<vmem_shared>> -> memref<640x128xf32, #tpu.memory_space<vmem_shared>>
      tpu.enqueue_dma source(%dma_start3A_22 : memref<640x128xf32, #tpu.memory_space<vmem_shared>>) target(%dma_start3A_20 : memref<640x128xf32, #tpu.memory_space<hbm>>) target_semaphore(%run_scoped3A : memref<!tpu.dma_semaphore, #tpu.memory_space<semaphore_mem>>)
      %dma_wait3A = arith.constant 0 : i32
      %dma_wait3A_23 = tpu.memref_slice %arg6[%add3A_19, %dma_wait3A] : memref<20480x128xf32, #tpu.memory_space<hbm>> -> memref<640x128xf32, #tpu.memory_space<hbm>>
      %dma_wait3A_24 = arith.constant 0 : i32
      %dma_wait3A_25 = tpu.memref_slice %arg11[%mul3A_0, %dma_wait3A_24] : memref<10240x128xf32, #tpu.memory_space<vmem_shared>> -> memref<640x128xf32, #tpu.memory_space<vmem_shared>>
      tpu.wait_dma2 semaphore(%run_scoped3A : memref<!tpu.dma_semaphore, #tpu.memory_space<semaphore_mem>>) src(%dma_wait3A_25 : memref<640x128xf32, #tpu.memory_space<vmem_shared>>) dst(%dma_wait3A_23 : memref<640x128xf32, #tpu.memory_space<hbm>>)
      tpu.yield
    }) : () -> ()
    return
  }
}

module attributes {stable_mosaic.version = 14 : i64} {
  func.func @_mm_body(%arg0: i32, %arg1: memref<2000x128xf32, #tpu.memory_space<vmem>>, %arg2: memref<128x128xf32, #tpu.memory_space<vmem>>, %arg3: memref<2000x128xf32, #tpu.memory_space<vmem>>) attributes {dimension_semantics = [#tpu.dimension_semantics<arbitrary>], iteration_bounds = array<i64: 10>, scalar_prefetch = 0 : i64, scratch_operands = 0 : i64, tpu.core_type = #tpu.core_type<tc>, window_params = [{transform_indices = @transform_0, window_bounds = array<i64: 2000, 128>}, {pipeline_mode = #tpu.pipeline_mode<synchronous>, transform_indices = @transform_1, window_bounds = array<i64: 128, 128>}, {transform_indices = @transform_2, window_bounds = array<i64: 2000, 128>}]} {
    %get3A = arith.constant 0 : index
    %get3A_0 = arith.constant 0 : index
    %get3A_1 = vector.load %arg1[%get3A, %get3A_0] : memref<2000x128xf32, #tpu.memory_space<vmem>>, vector<2000x128xf32>
    %get3A_2 = arith.constant 0 : index
    %get3A_3 = arith.constant 0 : index
    %get3A_4 = vector.load %arg2[%get3A_2, %get3A_3] : memref<128x128xf32, #tpu.memory_space<vmem>>, vector<128x128xf32>
    %dot_general3A = arith.constant dense<0.000000e+00> : vector<2000x128xf32>
    %dot_general3A_5 = tpu.matmul %get3A_1, %get3A_4, %dot_general3A {dimension_numbers = #tpu.dot_dimension_numbers<[1], [0], [0], [1], [0, 0, 1, 1], [], []>, transpose_lhs_hint = false} : vector<2000x128xf32>, vector<128x128xf32>, vector<2000x128xf32> -> vector<2000x128xf32>
    %swap3A = arith.constant 0 : index
    %swap3A_6 = arith.constant 0 : index
    %swap3A_7 = vector.load %arg3[%swap3A, %swap3A_6] : memref<2000x128xf32, #tpu.memory_space<vmem>>, vector<2000x128xf32>
    tpu.vector_store %arg3[%swap3A, %swap3A_6], %dot_general3A_5 {strides = array<i32>} : memref<2000x128xf32, #tpu.memory_space<vmem>>, vector<2000x128xf32>,
    return
  }
  func.func @transform_0(%arg0: i32) -> (i32, i32) {
    %c0_i32 = arith.constant 0 : i32
    %c0_i32_0 = arith.constant 0 : i32
    return %arg0, %c0_i32 : i32, i32
  }
  func.func @transform_1(%arg0: i32) -> (i32, i32) {
    %c0_i32 = arith.constant 0 : i32
    %c0_i32_0 = arith.constant 0 : i32
    %c0_i32_1 = arith.constant 0 : i32
    return %c0_i32, %c0_i32_0 : i32, i32
  }
  func.func @transform_2(%arg0: i32) -> (i32, i32) {
    %c0_i32 = arith.constant 0 : i32
    %c0_i32_0 = arith.constant 0 : i32
    return %arg0, %c0_i32 : i32, i32
  }
}

</mosaic_0001>

<sc_bundles>
// kernel: kernel.4.cloned.1.call-start
scs
__scs_entry_jumppad:
0x0: {  	(pc) =	sbr.rel $0x88, $3  }
0x1: {  	(tag) =	ssettag $0x0;
	lr =	simm.s32 $0x1  }
0x2: {  	[smem:$0x3F9D] =	sst lr;
	_ =	strace $0xD0000000  }
0x3: {  	_ = 	snop  }
0x4: {  	_ = 	snop  }
0x5: {  	_ = 	snop  }
0x6: {  	_ = 	snop  }
0x7: {  	_ = 	snop  }
__scs_overlays_trampoline_lowered:
0x8: {  	[smem:$0x3FAC] =	sst s0  }
0x9: {  	[smem:$0x3FAD] =	sst s1  }
0xa: {  	[smem:$0x3FAE] =	sst s2  }
0xb: {  	[smem:$0x3FAF] =	sst s3  }
0xc: {  	[smem:$0x3FB0] =	sst s4  }
0xd: {  	[smem:$0x3FB1] =	sst s5  }
0xe: {  	[smem:$0x3FB2] =	sst s6  }
0xf: {  	[smem:$0x3FB3] =	sst s7  }
0x10: {  	[smem:$0x3FB4] =	sst s8  }
0x11: {  	[smem:$0x3FB5] =	sst s9;
	s0 =	simm.s32 @!p0 $0x0  }
0x12: {  	s1 =	sld [smem:$0x3F9B];
	s0 =	simm.s32 @p0 $0x1  }
0x13: {  	[smem:$0x3FB6] =	sst s0;
	s0 =	simm.s32 @!p1 $0x0  }
0x14: {  	s2 =	sld [smem:$0x3F9A];
	s0 =	simm.s32 @p1 $0x1  }
0x15: {  	[smem:$0x3FB7] =	sst s0;
	s0 =	simm.s32 @!p2 $0x0  }
0x16: {  	s3 =	sld [smem:$0x3FDB];
	s0 =	simm.s32 @p2 $0x1  }
0x17: {  	s4 =	simm.s32 $0x1BF5;
	[smem:$0x3FB9] =	sst s0  }
0x18: {  	s0 =	sld [smem:$0x3F9C];
	_ =	swait.ge [sflag:s4], $0x0  }
0x19: {  	s7 =	sld [smem:$0x3F9D]  }
0x1a: {  	s8 =	sadd.s32 $0xFFFFE003, lr  }
0x1b: {  	s9 =	sadd.s32 $0xFFFFFEF7, lr;
	s5 =	simm.s32 $0xFFFFFFFF;
	p2 =	slt.u32 s8, $0xFFFFF086  }
0x1c: {  	p1 =	slt.u32 s9, $0xF7A;
	s5 =	simm.s32 @!p2 $0x0  }
0x1d: {  	s5 =	simm.s32 @p1 $0x1;
	p0 =	seq.s32 s7, s2  }
0x1e: {  	s7 =	smul.u32 @!p0 $0xF7A, s2;
	p2 =	seq.s32 @!p0 s5, $0x0  }
0x1f: {  	s9 =	smul.u32 $0xF7A, s1;
	s8 =	simm.s32 @!p0 $0x1BF5;
	p2 =	por !p2, p0  }
0x20: {  	[sflag:s8] =	ssyncset.s32 @!p0 $0xFFFFF086;
	s6 =	sadd.s32 @!p0 s3, s7;
	s7 =	simm.s32 @!p0 $0x108  }
0x21: {  	s3 =	sadd.s32 s3, s9;
	s6 =	sadd.s32 @!p0 $0x88, s6;
	s7 =	simm.s32 @p2 $0x1082  }
0x22: {  	[simem:s7], [sflag:s8] =	dma.local @!p0 [hbm:s6], $0xF7A  }
0x23: {  	s9 =	sor.u32 $0xD0000000, s2;
	s6 =	simm.s32 $0x108;
	_ =	swait.ge @!p0 [sflag:s8], $0x0  }
0x24: {  	s3 =	sadd.s32 $0x88, s3;
	s6 =	simm.s32 @!p1 $0x1082;
	[sflag:s4] =	ssyncset.s32 $0xFFFFF086  }
0x25: {  	[simem:s6], [sflag:s4] =	dma.local [hbm:s3], $0xF7A  }
0x26: {  	[smem:$0x3F9D] =	sst s1;
	(tag) =	ssettag s2;
	_ =	strace s9  }
0x27: {  	s1 =	sld [smem:$0x3FAD]  }
0x28: {  	s2 =	sld [smem:$0x3FAE]  }
0x29: {  	s4 =	sld [smem:$0x3FB0]  }
0x2a: {  	p0 =	seq.s32 s5, $0x0;
	s5 =	sld [smem:$0x3FB1]  }
0x2b: {  	s6 =	sld [smem:$0x3FB2]  }
0x2c: {  	s7 =	sld [smem:$0x3FB3]  }
0x2d: {  	s3 =	simm.s32 $0x108;
	s8 =	sld [smem:$0x3FB4]  }
0x2e: {  	s3 =	simm.s32 @!p0 $0x1082;
	s9 =	sld [smem:$0x3FB5]  }
0x2f: {  	lr =	sadd.s32 s0, s3;
	s0 =	sld [smem:$0x3FAC]  }
0x30: {  	s3 =	sld [smem:$0x3FAF]  }
0x31: {  	[smem:$0x3FB8] =	sst s10  }
0x32: {  	s10 =	sld [smem:$0x3FB6];
	_ =	sdelay $0x3  }
0x33: {  	p0 =	seq.s32 s10, $0x1;
	s10 =	sld [smem:$0x3FB8];
	_ =	sdelay $0x3  }
0x34: {  	[smem:$0x3FB8] =	sst s10  }
0x35: {  	s10 =	sld [smem:$0x3FB7];
	_ =	sdelay $0x3  }
0x36: {  	p1 =	seq.s32 s10, $0x1;
	s10 =	sld [smem:$0x3FB8];
	_ =	sdelay $0x3  }
0x37: {  	[smem:$0x3FB8] =	sst s10  }
0x38: {  	s10 =	sld [smem:$0x3FB9]  }
0x39: {  	_ = 	snop;
	(pc) =	sbr.ind lr, $3  }
0x3a: {  	_ = 	snop  }
0x3b: {  	_ = 	snop  }
0x3c: {  	p2 =	seq.s32 s10, $0x1;
	s10 =	sld [smem:$0x3FB8]  }
0x3d: {  	_ =	shalt  }
0x3e: {  	_ =	shalt  }
0x3f: {  	_ =	shalt  }
0x40: {  	_ =	shalt  }
0x41: {  	_ =	shalt  }
0x42: {  	_ =	shalt  }
0x43: {  	_ =	shalt  }
0x44: {  	_ =	shalt  }
0x45: {  	_ =	shalt  }
0x46: {  	_ =	shalt  }
0x47: {  	_ =	shalt  }
0x48: {  	_ =	shalt  }
0x49: {  	_ =	shalt  }
0x4a: {  	_ =	shalt  }
0x4b: {  	_ =	shalt  }
0x4c: {  	_ =	shalt  }
0x4d: {  	_ =	shalt  }
0x4e: {  	_ =	shalt  }
0x4f: {  	_ =	shalt  }
0x50: {  	_ =	shalt  }
0x51: {  	_ =	shalt  }
0x52: {  	_ =	shalt  }
0x53: {  	_ =	shalt  }
0x54: {  	_ =	shalt  }
0x55: {  	_ =	shalt  }
0x56: {  	_ =	shalt  }
0x57: {  	_ =	shalt  }
0x58: {  	_ =	shalt  }
0x59: {  	_ =	shalt  }
0x5a: {  	_ =	shalt  }
0x5b: {  	_ =	shalt  }
0x5c: {  	_ =	shalt  }
0x5d: {  	_ =	shalt  }
0x5e: {  	_ =	shalt  }
0x5f: {  	_ =	shalt  }
0x60: {  	_ =	shalt  }
0x61: {  	_ =	shalt  }
0x62: {  	_ =	shalt  }
0x63: {  	_ =	shalt  }
0x64: {  	_ =	shalt  }
0x65: {  	_ =	shalt  }
0x66: {  	_ =	shalt  }
0x67: {  	_ =	shalt  }
0x68: {  	_ =	shalt  }
0x69: {  	_ =	shalt  }
0x6a: {  	_ =	shalt  }
0x6b: {  	_ =	shalt  }
0x6c: {  	_ =	shalt  }
0x6d: {  	_ =	shalt  }
0x6e: {  	_ =	shalt  }
0x6f: {  	_ =	shalt  }
0x70: {  	_ =	shalt  }
0x71: {  	_ =	shalt  }
0x72: {  	_ =	shalt  }
0x73: {  	_ =	shalt  }
0x74: {  	_ =	shalt  }
0x75: {  	_ =	shalt  }
0x76: {  	_ =	shalt  }
0x77: {  	_ =	shalt  }
0x78: {  	_ =	shalt  }
0x79: {  	_ =	shalt  }
0x7a: {  	_ =	shalt  }
0x7b: {  	_ =	shalt  }
0x7c: {  	_ =	shalt  }
0x7d: {  	_ =	shalt  }
0x7e: {  	_ =	shalt  }
0x7f: {  	_ =	shalt  }
0x80: {  	_ =	shalt  }
0x81: {  	_ =	shalt  }
0x82: {  	_ =	shalt  }
0x83: {  	_ =	shalt  }
0x84: {  	_ =	shalt  }
0x85: {  	_ =	shalt  }
0x86: {  	_ =	shalt  }
0x87: {  	_ =	shalt  }
.Lfunc_end0:
.L_simem_size_0:
called_computation_lowered:
.L_overlay_start_0:
0x88: {  	s2 =	sld [smem:$0x3FD9]  }
0x89: {  	s3 =	sld [smem:$0x3FFE];
	_ =	sdelay $0x1  }
0x8a: {  	s1 =	srdreg.scid  }
0x8b: {  	s0 =	sand.u32 $0x1, s1  }
0x8c: {  	s14 =	sshll.u32 s0, $0xA;
	s2 =	sadd.s32 s3, s2  }
0x8d: {  	s2 =	sadd.s32 s2, s14  }
0x8e: {  	[smem:$0x3FC4] =	sst s2  }
0x8f: {  	_ = 	snop  }
0x90: {  	s2 =	sld [smem:$0x3FD0];
	_ =	sdelay $0x2  }
0x91: {  	s15 =	simm.s32 $0xA;
	s4 =	simm.s32 $0x10  }
0x92: {  	[smem:s4], [sflag:s15] =	dma.local [hbm:s2], $0x1  }
0x93: {  	_ =	swait.eq [sflag:s15], $0x1  }
0x94: {  	[sflag:s15] =	ssyncset.done $0x0  }
0x95: {  	s16 =	sld [smem:$0x10];
	[sflag:s15] =	ssyncadd.s32 $0xFFFFFFFF  }
0x96: {  	s17 =	sld [smem:$0x11];
	(tm) =	ssettm $0x1  }
0x97: {  	s18 =	sld [smem:$0x3FFB];
	_ =	sdelay $0x3  }
0x98: {  	_ =	strace s18  }
0x99: {  	s4 =	sld [smem:$0x3FFC];
	_ =	sdelay $0x3  }
0x9a: {  	_ =	strace s4  }
0x9b: {  	s4 =	sld [smem:$0x3FFD];
	_ =	sdelay $0x3  }
0x9c: {  	_ =	strace s4  }
0x9d: {  	_ =	strace $0x8FFFFFFF  }
0x9e: {  	s19 =	sld [smem:$0x3FDB];
	_ =	sdelay $0x1  }
0x9f: {  	s5 =	simm.s32 $_scs_section_size  }
0xa0: {  	s6 =	simm.s32 $_size__tile_overlayer_lowered;
	s7 =	simm.s32 $_tile_overlayer_lowered  }
0xa1: {  	s22 =	simm.s32 $0x1BFF;
	s21 =	sshll.u32 s7, $0x1;
	s4 =	sadd.s32 s5, s19  }
0xa2: {  	s8 =	simm.s32 $0x0;
	s20 =	sshll.u32 s6, $0x1;
	s6 =	sadd.s32 s21, s4  }
0xa3: {  	[timem:s8], [sflag:s22] =	dma.local [hbm:s6], s20  }
0xa4: {  	_ =	swait.ge [sflag:s22], s20  }
0xa5: {  	s5 =	ssub.s32 $0x0, s20;
	[sflag:s22] =	ssyncset.done $0x0  }
0xa6: {  	[sflag:s22] =	ssyncadd.s32 s5;
	_ =	sdelay $0x1  }
0xa7: {  	s23 =	simm.s32 $0x1B8B  }
0xa8: {  	_ =	swait.ge [sflag:s23], $0x1  }
0xa9: {  	[sflag:s23] =	ssyncset.done $0x0  }
0xaa: {  	s25 =	simm.s32 $0x1B8E;
	s24 =	sld [smem:$0x3FFE];
	[sflag:s23] =	ssyncadd.s32 $0xFFFFFFFF  }
0xab: {  	s26 =	simm.s32 $execute0_lowered;
	[smem:$0x3FD2] =	sst s25  }
0xac: {  	s6 =	sshll.u32 s26, $0x1;
	_ =	strace $0x80000046;
	[dreg:$0x1] =	wrdreg $0xFFFFFFFF  }
0xad: {  	s28 =	simm.s32 $_size_execute0_lowered;
	s4 =	sadd.s32 s4, s6;
	[dreg:$0x0] =	wrdreg $0x0  }
0xae: {  	s6 =	sshll.u32 s28, $0x1;
	[dreg:$0x2] =	wrdreg s4  }
0xaf: {  	[dreg:$0x3] =	wrdreg s6  }
0xb0: {  	[dreg:$0x4] =	wrdreg $0xC0  }
0xb1: {  	_ =	task [dreg:s8], $0x5FFFF  }
0xb2: {  	[dreg:$0x1] =	wrdreg $0xFFFFFFFF  }
0xb3: {  	[dreg:$0x0] =	wrdreg $0x60  }
0xb4: {  	[dreg:$0x2] =	wrdreg s24  }
0xb5: {  	[dreg:$0x3] =	wrdreg s16  }
0xb6: {  	[dreg:$0x4] =	wrdreg s17  }
0xb7: {  	[dreg:$0x5] =	wrdreg $0x82000  }
0xb8: {  	[dreg:$0x6] =	wrdreg $0x9  }
0xb9: {  	_ =	task.clear_ibuf [dreg:s8], $0x7FFFF;
	_ =	strace $0x90000046  }
0xba: {  	s29 =	simm.s32 $0x9;
	_ =	strace $0x80000048  }
0xbb: {  	_ =	swait.ge [sflag:s29], $0x1  }
0xbc: {  	[sflag:s29] =	ssyncadd.s32 $0xFFFFFFFF  }
0xbd: {  	_ =	strace $0x90000048  }
0xbe: {  	_ =	sfence  }
0xbf: {  	s30 =	sld [smem:$0x0];
	_ =	sdelay $0x2  }
0xc0: {  	s31 =	sshll.u32 s1, $0xD;
	s1 =	sshrl.u32 s1, $0x2  }
0xc1: {  	s3 =	sand.u32 $0x4000, s31;
	s1 =	sadd.s32 s1, s30  }
0xc2: {  	s0 =	sor.u32 s3, s0;
	s1 =	sshll.u32 s1, $0x11  }
0xc3: {  	s0 =	sor.u32 s1, s0  }
0xc4: {  	s0 =	sadd.s32 $0x8F2B, s0  }
0xc5: {  	[sflag:s0] =	ssyncadd.remote.s32 $0x1  }
0xc6: {  	_ =	sfence.sel $0xFFFF  }
0xc7: {  	[dreg:$0x0] =	wrdreg $0xFFFFFFFF;
	(pc) =	sbr.abs _section_cstart, $3  }
0xc8: {  	[dreg:$0x1] =	wrdreg $0xFFFFFFFF  }
0xc9: {  	_ =	task.clear_ibuf [dreg:s8], $0x2FFFF;
	_ =	strace $0x9FFFFFFF  }
0xca: {  	(tm) =	ssettm $0x7FFFFFFF  }
0xcb: {  	_ =	shalt  }
tec
execute0_lowered:
.L_overlay_start_1:
0x0: {  	(tag) =	ssettag $0x1  }
0x1: {  	s8 =	rddreg [dreg:$0x0]  }
0x2: {  	s1 =	rddreg [dreg:$0x1]  }
0x3: {  	s3 =	rddreg [dreg:$0x2]  }
0x4: {  	s4 =	rddreg [dreg:$0x3]  }
0x5: {  	s0 =	rddreg [dreg:$0x4]  }
0x6: {  	s6 =	srdreg.scid;
	s2 =	stileid.u32;
	s5 =	simm.s32 $0x0  }
0x7: {  	s17 =	simm.s32 $0x100;
	s18 =	simm.s32 $0x80;
	s19 =	simm.s32 $0x200  }
0x8: {  	s20 =	simm.s32 $0x4200;
	s21 =	simm.s32 $0x1;
	s22 =	simm.s32 $0x180  }
0x9: {  	s23 =	simm.s32 $0x0;
	s9 =	sand.u32 $0x1, s6;
	s10 =	smul.u32 $0x280, s2  }
0xa: {  	[smem:$0x7FF] =	sst s5;
	s6 =	sadd.s32 $0xA00, s8;
	s13 =	smul.u32 $0x50000, s2  }
0xb: {  	s7 =	sadd.s32 $0x50A00, s8;
	s31 =	sshll.u32 s2, $0x6;
	s11 =	smul.u32 $0x2800, s9  }
0xc: {  	_ =	strace $0x80000047;
	s28 =	ssub.s32 $0x2, s9;
	s9 =	smul.u32 $0x28000, s9  }
0xd: {  	s29 =	sshrl.u32 s28, $0x1;
	s30 =	sshrl.u32 s13, $0x2;
	s10 =	sadd.s32 s10, s11  }
0xe: {  	s15 =	ssub.s32 s28, s29;
	s16 =	sadd.s32 s30, s4;
	s12 =	sshll.u32 s10, $0x4  }
0xf: {  	s11 =	smul.u32 $0x2800, s2;
	s14 =	sadd.s32 s12, s8;
	s8 =	sadd.s32 $0x53200, s8  }
0x10: {  	s10 =	sor.u32 $0x1C02, s31;
	s12 =	sadd.s32 s8, s12;
	s13 =	sadd.s32 $0xA3200, s14  }
0x11: {  	s14 =	smax.u32 s15, $0x1;
	s15 =	sshrl.u32 s16, $0x3;
	s16 =	simm.s32 $0x2  }
.LBB2_1:
0x12: {  	[spmem:s15], [sflag:s10] =	dma.local [hbm:s7], $0x2800  }
0x13: {  	s24 =	sadd.s32 $0x0, s11  }
0x14: {  	s24 =	sand.u32 $0x7FC00, s24  }
0x15: {  	s25 =	sand.u32 $0x300, s5;
	_ =	swait.ge [sflag:s16], $0x2800;
	s26 =	sadd.s32 s9, s24  }
0x16: {  	[sflag:s16] =	ssyncset.done $0x0;
	s26 =	sor.u32 s25, s26  }
0x17: {  	[sflag:s16] =	ssyncadd.s32 $0xFFFFD800;
	s26 =	sshrl.u32 s26, $0x3  }
0x18: {  	[bflag:$0x0] =	sbarrier.arrive $0xFFFF;
	s26 =	sadd.s32 s1, s26  }
0x19: {  	[tilespmem:s5], [sflag:$0x2] =	stream.linear.gather [hbm4b:s26+s5], $0x100, $0x38;
	[tilespmem:$0x1C200] =	vst v63  }
0x1a: {  	s24 =	sor.u32 s25, s24;
	_ =	swait.ge [sflag:s16], $0x100  }
0x1b: {  	s24 =	sshrl.u32 s24, $0x3;
	[sflag:s16] =	ssyncset.done $0x0  }
0x1c: {  	s24 =	sadd.s32 s3, s24;
	[sflag:s16] =	ssyncadd.s32 $0xFFFFFF00  }
0x1d: {  	[tilespmem:s17], [sflag:$0x2] =	stream.linear.gather [hbm4b:s24+s5], $0x100, $0x38;
	[tilespmem:$0x1C200] =	vst v63  }
0x1e: {  	_ =	swait.ge [sflag:s16], $0x100  }
0x1f: {  	[sflag:s16] =	ssyncset.done $0x0  }
0x20: {  	[sflag:s16] =	ssyncadd.s32 $0xFFFFFF00  }
0x21: {  	[tilespmem:s19], [sflag:$0x1] =	stream.indirect.gather [hbm4b:s6+s18], $0x80, s5, s18, $0xb8;
	[tilespmem:$0x1C200] =	vst v63  }
0x22: {  	_ = 	snop  }
0x23: {  	[tilespmem:s20], [sflag:$0x1] =	stream.indirect.gather [hbm4b:s6+s18], $0x80, s18, s18, $0xb8;
	[tilespmem:$0x1C200] =	vst v63  }
0x24: {  	_ =	swait.ge [sflag:s21], $0x4000  }
0x25: {  	[sflag:s21] =	ssyncset.done $0x0  }
0x26: {  	[sflag:s21] =	ssyncadd.s32 $0xFFFFC000  }
0x27: {  	_ =	swait.ge [sflag:s21], $0x4000  }
0x28: {  	s31 =	sadd.s32 $0x100, s11;
	[sflag:s21] =	ssyncset.done $0x0  }
0x29: {  	s30 =	simm.s32 $0x100;
	s26 =	sand.u32 $0x7FC00, s31;
	[sflag:s21] =	ssyncadd.s32 $0xFFFFC000  }
0x2a: {  	[spmem:s4] =	stream.indirect.scatter.add.f32 [tilespmem:s19], [sflag:$0x2], $0x80, s17, s18, $0xb8;
	[tilespmem:$0x1C200] =	vst v63  }
0x2b: {  	s25 =	sand.u32 $0x300, s30;
	s28 =	sadd.s32 s9, s26;
	_ =	swait.ge [sflag:s16], $0x4000  }
0x2c: {  	s29 =	sor.u32 s25, s26;
	s26 =	sor.u32 s25, s28;
	[sflag:s16] =	ssyncset.done $0x0  }
0x2d: {  	s25 =	sshrl.u32 s29, $0x3;
	s24 =	simm.s32 $0x200;
	[sflag:s16] =	ssyncadd.s32 $0xFFFFC000  }
.LBB2_2:
0x2e: {  	p0 =	sne.s32 s24, $0x2700  }
0x2f: {  	s26 =	sshrl.u32 s26, $0x3;
	s28 =	smov.u32 s24;
	s24 =	sadd.s32 $0x100, s24  }
0x30: {  	[spmem:s4] =	stream.indirect.scatter.add.f32 [tilespmem:s20], [sflag:$0x2], $0x80, s22, s18, $0xb8;
	[tilespmem:$0x1C200] =	vst v63  }
0x31: {  	_ =	swait.ge [sflag:s16], $0x4000  }
0x32: {  	[sflag:s16] =	ssyncset.done $0x0  }
0x33: {  	s26 =	sadd.s32 s1, s26;
	[sflag:s16] =	ssyncadd.s32 $0xFFFFC000  }
0x34: {  	[tilespmem:s5], [sflag:$0x2] =	stream.linear.gather [hbm4b:s26+s5], $0x100, $0x38;
	[tilespmem:$0x1C200] =	vst v63  }
0x35: {  	_ =	swait.ge [sflag:s16], $0x100  }
0x36: {  	[sflag:s16] =	ssyncset.done $0x0  }
0x37: {  	s25 =	sadd.s32 s3, s25;
	[sflag:s16] =	ssyncadd.s32 $0xFFFFFF00  }
0x38: {  	[tilespmem:s17], [sflag:$0x2] =	stream.linear.gather [hbm4b:s25+s5], $0x100, $0x38;
	[tilespmem:$0x1C200] =	vst v63  }
0x39: {  	_ =	swait.ge [sflag:s16], $0x100  }
0x3a: {  	[sflag:s16] =	ssyncset.done $0x0  }
0x3b: {  	[sflag:s16] =	ssyncadd.s32 $0xFFFFFF00  }
0x3c: {  	[tilespmem:s19], [sflag:$0x1] =	stream.indirect.gather [hbm4b:s6+s18], $0x80, s5, s18, $0xb8;
	[tilespmem:$0x1C200] =	vst v63  }
0x3d: {  	_ = 	snop  }
0x3e: {  	[tilespmem:s20], [sflag:$0x1] =	stream.indirect.gather [hbm4b:s6+s18], $0x80, s18, s18, $0xb8;
	[tilespmem:$0x1C200] =	vst v63  }
0x3f: {  	_ =	swait.ge [sflag:s21], $0x4000  }
0x40: {  	[sflag:s21] =	ssyncset.done $0x0  }
0x41: {  	[sflag:s21] =	ssyncadd.s32 $0xFFFFC000  }
0x42: {  	_ =	swait.ge [sflag:s21], $0x4000  }
0x43: {  	[sflag:s21] =	ssyncset.done $0x0  }
.Ltmp0:
0x44: {  	s25 =	sadd.s32 s28, s11;
	[sflag:s21] =	ssyncadd.s32 $0xFFFFC000;
	(pc) =	sbr.rel @p0 .LBB2_2-.Ltmp0, $4  }
0x45: {  	[spmem:s4] =	stream.indirect.scatter.add.f32 [tilespmem:s19], [sflag:$0x2], $0x80, s17, s18, $0xb8;
	[tilespmem:$0x1C200] =	vst v63  }
0x46: {  	s26 =	sand.u32 $0x300, s28;
	s25 =	sand.u32 $0x7FC00, s25;
	_ =	swait.ge [sflag:s16], $0x4000  }
0x47: {  	s28 =	sadd.s32 s9, s25;
	s25 =	sor.u32 s26, s25;
	[sflag:s16] =	ssyncset.done $0x0  }
0x48: {  	s26 =	sor.u32 s26, s28;
	s25 =	sshrl.u32 s25, $0x3;
	[sflag:s16] =	ssyncadd.s32 $0xFFFFC000  }
0x49: {  	[spmem:s4] =	stream.indirect.scatter.add.f32 [tilespmem:s20], [sflag:$0x2], $0x80, s22, s18, $0xb8;
	[tilespmem:$0x1C200] =	vst v63  }
0x4a: {  	_ =	swait.ge [sflag:s16], $0x4000  }
0x4b: {  	s24 =	sshrl.u32 s26, $0x3;
	[sflag:s16] =	ssyncset.done $0x0  }
0x4c: {  	s24 =	sadd.s32 s1, s24;
	[sflag:s16] =	ssyncadd.s32 $0xFFFFC000  }
0x4d: {  	[tilespmem:s5], [sflag:$0x2] =	stream.linear.gather [hbm4b:s24+s5], $0x100, $0x38;
	[tilespmem:$0x1C200] =	vst v63  }
0x4e: {  	_ =	swait.ge [sflag:s16], $0x100  }
0x4f: {  	[sflag:s16] =	ssyncset.done $0x0  }
0x50: {  	s25 =	sadd.s32 s3, s25;
	[sflag:s16] =	ssyncadd.s32 $0xFFFFFF00  }
0x51: {  	[tilespmem:s17], [sflag:$0x2] =	stream.linear.gather [hbm4b:s25+s5], $0x100, $0x38;
	[tilespmem:$0x1C200] =	vst v63  }
0x52: {  	_ =	swait.ge [sflag:s16], $0x100  }
0x53: {  	[sflag:s16] =	ssyncset.done $0x0  }
0x54: {  	[sflag:s16] =	ssyncadd.s32 $0xFFFFFF00  }
0x55: {  	[tilespmem:s19], [sflag:$0x1] =	stream.indirect.gather [hbm4b:s6+s18], $0x80, s5, s18, $0xb8;
	[tilespmem:$0x1C200] =	vst v63  }
0x56: {  	_ = 	snop  }
0x57: {  	[tilespmem:s20], [sflag:$0x1] =	stream.indirect.gather [hbm4b:s6+s18], $0x80, s18, s18, $0xb8;
	[tilespmem:$0x1C200] =	vst v63  }
0x58: {  	_ =	swait.ge [sflag:s21], $0x4000  }
0x59: {  	[sflag:s21] =	ssyncset.done $0x0  }
0x5a: {  	[sflag:s21] =	ssyncadd.s32 $0xFFFFC000  }
0x5b: {  	_ =	swait.ge [sflag:s21], $0x4000  }
0x5c: {  	[sflag:s21] =	ssyncset.done $0x0  }
0x5d: {  	[sflag:s21] =	ssyncadd.s32 $0xFFFFC000  }
0x5e: {  	[spmem:s4] =	stream.indirect.scatter.add.f32 [tilespmem:s19], [sflag:$0x2], $0x80, s17, s18, $0xb8;
	[tilespmem:$0x1C200] =	vst v63  }
0x5f: {  	_ =	swait.ge [sflag:s16], $0x4000  }
0x60: {  	[sflag:s16] =	ssyncset.done $0x0  }
0x61: {  	[sflag:s16] =	ssyncadd.s32 $0xFFFFC000  }
0x62: {  	[spmem:s4] =	stream.indirect.scatter.add.f32 [tilespmem:s20], [sflag:$0x2], $0x80, s22, s18, $0xb8;
	[tilespmem:$0x1C200] =	vst v63  }
0x63: {  	_ =	swait.ge [sflag:s16], $0x4000  }
0x64: {  	[sflag:s16] =	ssyncset.done $0x0  }
0x65: {  	[sflag:s16] =	ssyncadd.s32 $0xFFFFC000  }
0x66: {  	[bflag:$0x0] =	sbarrier.arrive $0xFFFF  }
0x67: {  	[hbm:s12], [sflag:s10] =	dma.local [spmem:s15], $0x2800  }
0x68: {  	_ =	swait.ge [sflag:s16], $0x2800  }
0x69: {  	s26 =	sadd.s32 $0x0, s11;
	[sflag:s16] =	ssyncset.done $0x0  }
0x6a: {  	s28 =	simm.s32 $0x0;
	s24 =	sand.u32 $0x7FC00, s26;
	[sflag:s16] =	ssyncadd.s32 $0xFFFFD800  }
0x6b: {  	[spmem:s15], [sflag:s10] =	dma.local [hbm:s7], $0x2800  }
0x6c: {  	s29 =	sadd.s32 s9, s24;
	s25 =	sand.u32 $0x300, s28;
	_ =	swait.ge [sflag:s16], $0x2800  }
0x6d: {  	s26 =	sor.u32 s25, s29;
	[sflag:s16] =	ssyncset.done $0x0  }
0x6e: {  	s26 =	sshrl.u32 s26, $0x3;
	[sflag:s16] =	ssyncadd.s32 $0xFFFFD800  }
0x6f: {  	s26 =	sadd.s32 s1, s26;
	[bflag:$0x0] =	sbarrier.arrive $0xFFFF  }
0x70: {  	[tilespmem:s5], [sflag:$0x2] =	stream.linear.gather [hbm4b:s26+s5], $0x100, $0x38;
	[tilespmem:$0x1C200] =	vst v63  }
0x71: {  	s24 =	sor.u32 s25, s24;
	_ =	swait.ge [sflag:s16], $0x100  }
0x72: {  	s24 =	sshrl.u32 s24, $0x3;
	[sflag:s16] =	ssyncset.done $0x0  }
0x73: {  	s24 =	sadd.s32 s3, s24;
	[sflag:s16] =	ssyncadd.s32 $0xFFFFFF00  }
0x74: {  	[tilespmem:s17], [sflag:$0x2] =	stream.linear.gather [hbm4b:s24+s5], $0x100, $0x38;
	[tilespmem:$0x1C200] =	vst v63  }
0x75: {  	_ =	swait.ge [sflag:s16], $0x100  }
0x76: {  	[sflag:s16] =	ssyncset.done $0x0  }
0x77: {  	[sflag:s16] =	ssyncadd.s32 $0xFFFFFF00  }
0x78: {  	[tilespmem:s19], [sflag:$0x1] =	stream.indirect.gather [hbm4b:s8+s18], $0x80, s5, s18, $0xb8;
	[tilespmem:$0x1C200] =	vst v63  }
0x79: {  	_ = 	snop  }
0x7a: {  	[tilespmem:s20], [sflag:$0x1] =	stream.indirect.gather [hbm4b:s8+s18], $0x80, s18, s18, $0xb8;
	[tilespmem:$0x1C200] =	vst v63  }
0x7b: {  	_ =	swait.ge [sflag:s21], $0x4000  }
0x7c: {  	[sflag:s21] =	ssyncset.done $0x0  }
0x7d: {  	[sflag:s21] =	ssyncadd.s32 $0xFFFFC000  }
0x7e: {  	_ =	swait.ge [sflag:s21], $0x4000  }
0x7f: {  	s31 =	sadd.s32 $0x100, s11;
	[sflag:s21] =	ssyncset.done $0x0  }
0x80: {  	s30 =	simm.s32 $0x100;
	s26 =	sand.u32 $0x7FC00, s31;
	[sflag:s21] =	ssyncadd.s32 $0xFFFFC000  }
0x81: {  	[spmem:s4] =	stream.indirect.scatter.add.f32 [tilespmem:s19], [sflag:$0x2], $0x80, s17, s18, $0xb8;
	[tilespmem:$0x1C200] =	vst v63  }
0x82: {  	s25 =	sand.u32 $0x300, s30;
	s28 =	sadd.s32 s9, s26;
	_ =	swait.ge [sflag:s16], $0x4000  }
0x83: {  	s29 =	sor.u32 s25, s26;
	s26 =	sor.u32 s25, s28;
	[sflag:s16] =	ssyncset.done $0x0  }
0x84: {  	s25 =	sshrl.u32 s29, $0x3;
	s24 =	simm.s32 $0x200;
	[sflag:s16] =	ssyncadd.s32 $0xFFFFC000  }
.LBB2_4:
0x85: {  	p0 =	sne.s32 s24, $0x2700  }
0x86: {  	s26 =	sshrl.u32 s26, $0x3;
	s28 =	smov.u32 s24;
	s24 =	sadd.s32 $0x100, s24  }
0x87: {  	[spmem:s4] =	stream.indirect.scatter.add.f32 [tilespmem:s20], [sflag:$0x2], $0x80, s22, s18, $0xb8;
	[tilespmem:$0x1C200] =	vst v63  }
0x88: {  	_ =	swait.ge [sflag:s16], $0x4000  }
0x89: {  	[sflag:s16] =	ssyncset.done $0x0  }
0x8a: {  	s26 =	sadd.s32 s1, s26;
	[sflag:s16] =	ssyncadd.s32 $0xFFFFC000  }
0x8b: {  	[tilespmem:s5], [sflag:$0x2] =	stream.linear.gather [hbm4b:s26+s5], $0x100, $0x38;
	[tilespmem:$0x1C200] =	vst v63  }
0x8c: {  	_ =	swait.ge [sflag:s16], $0x100  }
0x8d: {  	[sflag:s16] =	ssyncset.done $0x0  }
0x8e: {  	s25 =	sadd.s32 s3, s25;
	[sflag:s16] =	ssyncadd.s32 $0xFFFFFF00  }
0x8f: {  	[tilespmem:s17], [sflag:$0x2] =	stream.linear.gather [hbm4b:s25+s5], $0x100, $0x38;
	[tilespmem:$0x1C200] =	vst v63  }
0x90: {  	_ =	swait.ge [sflag:s16], $0x100  }
0x91: {  	[sflag:s16] =	ssyncset.done $0x0  }
0x92: {  	[sflag:s16] =	ssyncadd.s32 $0xFFFFFF00  }
0x93: {  	[tilespmem:s19], [sflag:$0x1] =	stream.indirect.gather [hbm4b:s8+s18], $0x80, s5, s18, $0xb8;
	[tilespmem:$0x1C200] =	vst v63  }
0x94: {  	_ = 	snop  }
0x95: {  	[tilespmem:s20], [sflag:$0x1] =	stream.indirect.gather [hbm4b:s8+s18], $0x80, s18, s18, $0xb8;
	[tilespmem:$0x1C200] =	vst v63  }
0x96: {  	_ =	swait.ge [sflag:s21], $0x4000  }
0x97: {  	[sflag:s21] =	ssyncset.done $0x0  }
0x98: {  	[sflag:s21] =	ssyncadd.s32 $0xFFFFC000  }
0x99: {  	_ =	swait.ge [sflag:s21], $0x4000  }
0x9a: {  	[sflag:s21] =	ssyncset.done $0x0  }
.Ltmp1:
0x9b: {  	s25 =	sadd.s32 s28, s11;
	[sflag:s21] =	ssyncadd.s32 $0xFFFFC000;
	(pc) =	sbr.rel @p0 .LBB2_4-.Ltmp1, $4  }
0x9c: {  	[spmem:s4] =	stream.indirect.scatter.add.f32 [tilespmem:s19], [sflag:$0x2], $0x80, s17, s18, $0xb8;
	[tilespmem:$0x1C200] =	vst v63  }
0x9d: {  	s26 =	sand.u32 $0x300, s28;
	s25 =	sand.u32 $0x7FC00, s25;
	_ =	swait.ge [sflag:s16], $0x4000  }
0x9e: {  	s28 =	sadd.s32 s9, s25;
	s25 =	sor.u32 s26, s25;
	[sflag:s16] =	ssyncset.done $0x0  }
0x9f: {  	s26 =	sor.u32 s26, s28;
	s25 =	sshrl.u32 s25, $0x3;
	[sflag:s16] =	ssyncadd.s32 $0xFFFFC000  }
0xa0: {  	[spmem:s4] =	stream.indirect.scatter.add.f32 [tilespmem:s20], [sflag:$0x2], $0x80, s22, s18, $0xb8;
	[tilespmem:$0x1C200] =	vst v63  }
0xa1: {  	_ =	swait.ge [sflag:s16], $0x4000  }
0xa2: {  	s24 =	sshrl.u32 s26, $0x3;
	[sflag:s16] =	ssyncset.done $0x0  }
0xa3: {  	s24 =	sadd.s32 s1, s24;
	[sflag:s16] =	ssyncadd.s32 $0xFFFFC000  }
0xa4: {  	[tilespmem:s5], [sflag:$0x2] =	stream.linear.gather [hbm4b:s24+s5], $0x100, $0x38;
	[tilespmem:$0x1C200] =	vst v63  }
0xa5: {  	_ =	swait.ge [sflag:s16], $0x100  }
0xa6: {  	[sflag:s16] =	ssyncset.done $0x0  }
0xa7: {  	s31 =	sadd.s32 s3, s25;
	[sflag:s16] =	ssyncadd.s32 $0xFFFFFF00  }
0xa8: {  	[tilespmem:s17], [sflag:$0x2] =	stream.linear.gather [hbm4b:s31+s5], $0x100, $0x38;
	[tilespmem:$0x1C200] =	vst v63  }
0xa9: {  	_ =	swait.ge [sflag:s16], $0x100  }
0xaa: {  	[sflag:s16] =	ssyncset.done $0x0  }
0xab: {  	[sflag:s16] =	ssyncadd.s32 $0xFFFFFF00  }
0xac: {  	[tilespmem:s19], [sflag:$0x1] =	stream.indirect.gather [hbm4b:s8+s18], $0x80, s5, s18, $0xb8;
	[tilespmem:$0x1C200] =	vst v63  }
0xad: {  	_ = 	snop  }
0xae: {  	[tilespmem:s20], [sflag:$0x1] =	stream.indirect.gather [hbm4b:s8+s18], $0x80, s18, s18, $0xb8;
	[tilespmem:$0x1C200] =	vst v63  }
0xaf: {  	_ =	swait.ge [sflag:s21], $0x4000  }
0xb0: {  	[sflag:s21] =	ssyncset.done $0x0  }
0xb1: {  	[sflag:s21] =	ssyncadd.s32 $0xFFFFC000  }
0xb2: {  	_ =	swait.ge [sflag:s21], $0x4000  }
0xb3: {  	[sflag:s21] =	ssyncset.done $0x0  }
0xb4: {  	[sflag:s21] =	ssyncadd.s32 $0xFFFFC000  }
0xb5: {  	[spmem:s4] =	stream.indirect.scatter.add.f32 [tilespmem:s19], [sflag:$0x2], $0x80, s17, s18, $0xb8;
	[tilespmem:$0x1C200] =	vst v63  }
0xb6: {  	_ =	swait.ge [sflag:s16], $0x4000  }
0xb7: {  	[sflag:s16] =	ssyncset.done $0x0  }
0xb8: {  	[sflag:s16] =	ssyncadd.s32 $0xFFFFC000  }
0xb9: {  	[spmem:s4] =	stream.indirect.scatter.add.f32 [tilespmem:s20], [sflag:$0x2], $0x80, s22, s18, $0xb8;
	[tilespmem:$0x1C200] =	vst v63  }
0xba: {  	_ =	swait.ge [sflag:s16], $0x4000  }
0xbb: {  	s23 =	sadd.s32 $0x1, s23;
	[sflag:s16] =	ssyncset.done $0x0  }
0xbc: {  	p0 =	sne.s32 s23, s14;
	[sflag:s16] =	ssyncadd.s32 $0xFFFFC000  }
.Ltmp2:
0xbd: {  	[bflag:$0x0] =	sbarrier.arrive $0xFFFF;
	(pc) =	sbr.rel @p0 .LBB2_1-.Ltmp2, $4  }
0xbe: {  	[hbm:s13], [sflag:s10] =	dma.local [spmem:s15], $0x2800  }
0xbf: {  	_ =	swait.ge [sflag:s16], $0x2800  }
0xc0: {  	[sflag:s16] =	ssyncset.done $0x0  }
0xc1: {  	[sflag:s16] =	ssyncadd.s32 $0xFFFFD800  }
0xc2: {  	_ =	sfence.sel $0x180000  }
0xc3: {  	[bflag:$0x0] =	sbarrier.arrive $0xFFFF  }
0xc4: {  	p0 =	sne.s32 s2, $0x0;
	_ =	strace $0x90000047  }
0xc5: {  	s0 =	sadd.s32 @!p0 $0x100000, s0;
	[bflag:$0x2] =	sbarrier.arrive $0xFFFF  }
0xc6: {  	[sflag:s0] =	ssyncadd.tile.s32 @!p0 $0x1;
	_ =	shalt  }
.Lfunc_end2:
_tile_overlayer_lowered:
.L_overlay_start_2:
0xc7: {  	(tag) =	ssettag $0x2  }
0xc8: {  	s0 =	rddreg [dreg:$0x0];
	s2 =	stileid.u32  }
0xc9: {  	s1 =	rddreg [dreg:$0x1];
	p0 =	sne.s32 s2, $0x0  }
0xca: {  	s3 =	rddreg [dreg:$0x2];
	[bflag:$0x3] =	sbarrier.arrive $0xFFFF;
	s2 =	simm.s32 @!p0 $0x1C02  }
0xcb: {  	[timem:s3], [sflag:s2] =	dma.local @!p0 [hbm:s0], s1  }
0xcc: {  	s0 =	simm.s32 @!p0 $0x2  }
0xcd: {  	_ =	swait.ge @!p0 [sflag:s0], s1  }
0xce: {  	s1 =	ssub.s32 @!p0 $0x0, s1;
	[sflag:s0] =	ssyncset.done @!p0 $0x0  }
0xcf: {  	[sflag:s0] =	ssyncadd.s32 @!p0 s1  }
0xd0: {  	[bflag:$0x3] =	sbarrier.arrive $0xFFFF  }
0xd1: {  	_ =	shalt  }

</sc_bundles>
